<compile_context>
chip_gen: v7x
topology: tpu7x:2x2x1
jax: 0.10.2.dev20260603
libtpu: 0.0.44.dev20260713+nightly
codegen_flags: <defaults>
</compile_context>

<pallas_src>
import functools

import jax
import jax.numpy as jnp
from jax import lax
from jax.experimental import pallas as pl
from jax.experimental.pallas import tpu as pltpu
from jax.experimental.pallas import tpu_sc as plsc

_NC, _NS = 2, 16
_NW = _NC * _NS
_BLK = 128
_SB = 8
_T = 4000


def _sc_mesh():
    return plsc.VectorSubcoreMesh(core_axis_name="c", subcore_axis_name="s",
                                  num_cores=_NC, num_subcores=_NS)


def _make_scatter(n, in_dim, npad, nfull, tail, nsteps):
    scratch = [
        pltpu.VMEM((2, _BLK), jnp.int32),
        pltpu.VMEM((2, _BLK, in_dim), jnp.float32),
        pltpu.VMEM((max(tail, 8),), jnp.int32),
        pltpu.VMEM((max(tail, 8), in_dim), jnp.float32),
        pltpu.SemaphoreType.DMA,
        pltpu.SemaphoreType.DMA,
        pltpu.SemaphoreType.DMA,
        pltpu.SemaphoreType.DMA,
        pltpu.SemaphoreType.DMA,
    ]

    @functools.partial(
        pl.kernel,
        out_type=jax.ShapeDtypeStruct((npad, in_dim), jnp.float32),
        mesh=_sc_mesh(),
        scratch_types=scratch,
    )
    def scatter(x_hbm, pos_hbm, xs_hbm, idx_v, rows_v, idxt_v, rowst_v,
                ls0, ls1, ss0, ss1, tsem):
        wid = lax.axis_index("s") * _NC + lax.axis_index("c")
        lsem = (ls0, ls1)
        ssem = (ss0, ss1)

        def load_descs(j, p):
            off = (wid + _NW * j) * _BLK
            di = pltpu.make_async_copy(pos_hbm.at[pl.ds(off, _BLK)],
                                       idx_v.at[p], lsem[p])
            dr = pltpu.make_async_copy(x_hbm.at[pl.ds(off, _BLK), :],
                                       rows_v.at[p], lsem[p])
            return di, dr

        def scat_desc(p):
            return pltpu.make_async_copy(rows_v.at[p], xs_hbm.at[idx_v.at[p]],
                                         ssem[p])

        @pl.when(wid < nfull)
        def _():
            di, dr = load_descs(0, 0)
            di.start()
            dr.start()

        def half_step(j, p):
            b = wid + _NW * j

            @pl.when(jnp.logical_and(j >= 1, b - _NW < nfull))
            def _():
                scat_desc(1 - p).wait()

            @pl.when(b + _NW < nfull)
            def _():
                di, dr = load_descs(j + 1, 1 - p)
                di.start()
                dr.start()

            @pl.when(b < nfull)
            def _():
                di, dr = load_descs(j, p)
                di.wait()
                dr.wait()
                scat_desc(p).start()

        def step(jp, carry):
            half_step(2 * jp, 0)
            half_step(2 * jp + 1, 1)
            return carry

        lax.fori_loop(0, (nsteps + 2) // 2, step, 0)

        if tail:
            @pl.when(wid == (nfull % _NW))
            def _():
                off = nfull * _BLK
                pltpu.sync_copy(pos_hbm.at[pl.ds(off, tail)],
                                idxt_v.at[pl.ds(0, tail)])
                pltpu.sync_copy(x_hbm.at[pl.ds(off, tail), :],
                                rowst_v.at[pl.ds(0, tail), :])
                pltpu.async_copy(rowst_v.at[pl.ds(0, tail), :],
                                 xs_hbm.at[idxt_v.at[pl.ds(0, tail)]],
                                 tsem).wait()

    return scatter


def _make_gather(nsb, npad):
    scratch = [
        pltpu.VMEM((_SB, _BLK), jnp.int32),
        pltpu.VMEM((_SB, _BLK), jnp.float32),
        pltpu.SemaphoreType.DMA,
    ]
    ksteps = (nsb + _NW - 1) // _NW

    @functools.partial(
        pl.kernel,
        out_type=jax.ShapeDtypeStruct((nsb, _SB, _BLK), jnp.float32),
        mesh=_sc_mesh(),
        scratch_types=scratch,
    )
    def gather(ys_hbm, pos3_hbm, out_hbm, idx_v, y_v, sem):
        wid = lax.axis_index("s") * _NC + lax.axis_index("c")

        def step(k, carry):
            s = wid + _NW * k

            @pl.when(s < nsb)
            def _():
                pltpu.sync_copy(pos3_hbm.at[s], idx_v)
                for kk in range(_SB):
                    pltpu.make_async_copy(ys_hbm.at[idx_v.at[kk]],
                                          y_v.at[kk], sem).start()
                for kk in range(_SB):
                    pltpu.make_async_copy(ys_hbm.at[idx_v.at[kk]],
                                          y_v.at[kk], sem).wait()
                pltpu.sync_copy(y_v, out_hbm.at[s])

            return carry

        lax.fori_loop(0, ksteps, step, 0)

    return gather


def _mlp_body(te_ref, xs_ref, w1_ref, b1_ref, w2_ref, b2_ref, o_ref):
    xb = xs_ref[...].astype(jnp.bfloat16)
    hT = lax.dot_general(w1_ref[0], xb, (((1,), (1,)), ((), ())),
                         preferred_element_type=jnp.float32)
    hT = jnp.maximum(hT + b1_ref[0, 0][:, None], 0.0).astype(jnp.bfloat16)
    oT = lax.dot_general(w2_ref[0, 0][None, :], hT, (((1,), (0,)), ((), ())),
                         preferred_element_type=jnp.float32)
    o_ref[0] = oT + b2_ref[0, 0, 0]


def kernel(x, atomic_nums, Wc1, bc1, Wc2, bc2, Wh1, bh1, Wh2, bh2,
           Wo1, bo1, Wo2, bo2):
    n, in_dim = x.shape
    hid = Wc1.shape[0]
    ntiles = (n + _T - 1) // _T + 2
    npad = ntiles * _T
    nfull = n // _BLK
    tail = n - nfull * _BLK
    nblocks = nfull + (1 if tail else 0)
    nsteps = (nblocks + _NW - 1) // _NW
    sbrows = _SB * _BLK
    nsb = (n + sbrows - 1) // sbrows
    ngpad = nsb * sbrows

    an = atomic_nums.astype(jnp.int32)
    is0 = an == 6
    is1 = an == 1
    c0 = jnp.sum(is0.astype(jnp.int32))
    c1 = jnp.sum(is1.astype(jnp.int32))
    s1 = ((c0 + _T - 1) // _T) * _T
    s2 = s1 + ((c1 + _T - 1) // _T) * _T
    cum0 = jnp.cumsum(is0.astype(jnp.int32))
    cum1 = jnp.cumsum(is1.astype(jnp.int32))
    iota1 = jnp.arange(1, n + 1, dtype=jnp.int32)
    pos = jnp.where(is0, cum0 - 1,
                    jnp.where(is1, s1 + cum1 - 1,
                              s2 + (iota1 - cum0 - cum1) - 1)).astype(jnp.int32)
    tstart = jnp.arange(ntiles, dtype=jnp.int32) * _T
    te = ((tstart >= s1).astype(jnp.int32) + (tstart >= s2).astype(jnp.int32))
    pos3 = jnp.concatenate(
        [pos, jnp.full((ngpad - n,), npad - 1, jnp.int32)]).reshape(nsb, _SB, _BLK)

    xs = _make_scatter(n, in_dim, npad, nfull, tail, nsteps)(x, pos)

    w1s = jnp.stack([Wc1, Wh1, Wo1]).astype(jnp.bfloat16)
    b1s = jnp.stack([bc1, bh1, bo1]).reshape(3, 1, hid)
    w2s = jnp.stack([Wc2[0], Wh2[0], Wo2[0]]).astype(jnp.bfloat16).reshape(3, 1, hid)
    b2s = jnp.stack([bc2, bh2, bo2]).reshape(3, 1, 1)

    grid_spec = pltpu.PrefetchScalarGridSpec(
        num_scalar_prefetch=1,
        grid=(ntiles,),
        in_specs=[
            pl.BlockSpec((_T, in_dim), lambda i, te_r: (i, 0)),
            pl.BlockSpec((1, hid, in_dim), lambda i, te_r: (te_r[i], 0, 0)),
            pl.BlockSpec((1, 1, hid), lambda i, te_r: (te_r[i], 0, 0)),
            pl.BlockSpec((1, 1, hid), lambda i, te_r: (te_r[i], 0, 0)),
            pl.BlockSpec((1, 1, 1), lambda i, te_r: (te_r[i], 0, 0)),
        ],
        out_specs=pl.BlockSpec((1, 1, _T), lambda i, te_r: (i, 0, 0)),
    )
    ys = pl.pallas_call(
        _mlp_body,
        grid_spec=grid_spec,
        compiler_params=pltpu.CompilerParams(
            dimension_semantics=("arbitrary",)),
        out_shape=jax.ShapeDtypeStruct((ntiles, 1, _T), jnp.float32),
    )(te, xs, w1s, b1s, w2s, b2s)
    ys = ys.reshape(npad)

    out3 = _make_gather(nsb, npad)(ys, pos3)
    return out3.reshape(ngpad)[:n].reshape(n, 1)

# --- scband reference (transcript-rebuilt; emitter-appended) ---
"""Pipeline reference for scband-node-specific-mlps-71296457113980 (READ-ONLY COPY).

The authoritative reference and input builder live on the scoring server;
editing this copy changes nothing except your own understanding.
"""

import jax, jax.numpy as jnp
import numpy as np

N = 100000
IN_DIM = 256
HID = 512
OUT_DIM = 1

def _init_linear(key, fan_in, fan_out):
    k1, k2 = jax.random.split(key)
    bound = 1.0 / np.sqrt(fan_in)
    W = jax.random.uniform(k1, (fan_out, fan_in), minval=-bound, maxval=bound, dtype=jnp.float32)
    b = jax.random.uniform(k2, (fan_out,), minval=-bound, maxval=bound, dtype=jnp.float32)
    return W, b

def setup_inputs(seed: int = 0) -> dict:
    key = jax.random.key(seed)
    ks = jax.random.split(key, 8)
    x = jax.random.normal(ks[0], (N, IN_DIM), dtype=jnp.float32)
    atomic_nums = jax.random.randint(ks[1], (N,), 0, 10, dtype=jnp.int64)
    Wc1, bc1 = _init_linear(ks[2], IN_DIM, HID)
    Wc2, bc2 = _init_linear(ks[3], HID, OUT_DIM)
    Wh1, bh1 = _init_linear(ks[4], IN_DIM, HID)
    Wh2, bh2 = _init_linear(ks[5], HID, OUT_DIM)
    Wo1, bo1 = _init_linear(ks[6], IN_DIM, HID)
    Wo2, bo2 = _init_linear(ks[7], HID, OUT_DIM)
    return {"x": x, "atomic_nums": atomic_nums,
            "Wc1": Wc1, "bc1": bc1, "Wc2": Wc2, "bc2": bc2,
            "Wh1": Wh1, "bh1": bh1, "Wh2": Wh2, "bh2": bh2,
            "Wo1": Wo1, "bo1": bo1, "Wo2": Wo2, "bo2": bo2}

def _mlp(x, W1, b1, W2, b2):
    h = jnp.maximum(x @ W1.T + b1, 0.0)
    return h @ W2.T + b2

def reference(x, atomic_nums, Wc1, bc1, Wc2, bc2, Wh1, bh1, Wh2, bh2, Wo1, bo1, Wo2, bo2):
    mask_carbon = (atomic_nums == 6)[:, None]
    mask_hydrogen = (atomic_nums == 1)[:, None]
    out_c = _mlp(x, Wc1, bc1, Wc2, bc2)
    out_h = _mlp(x, Wh1, bh1, Wh2, bh2)
    out_o = _mlp(x, Wo1, bo1, Wo2, bo2)
    # masks are mutually exclusive, matching the torch masked-assignment semantics
    outputs = jnp.where(mask_carbon, out_c, jnp.where(mask_hydrogen, out_h, out_o))
    return outputs

if __name__ == "__main__":
    import jax
    _d = setup_inputs()
    print(jax.jit(kernel)(*tuple(_d.values())))

</pallas_src>

<mosaic_0001>
#map = affine_map<(d0, d1) -> (0)>
#map1 = affine_map<(d0, d1) -> (0, 0, 0)>
module attributes {stable_mosaic.version = 14 : i64} {
  func.func @gather(%arg0: i32, %arg1: i32, %arg2: memref<108000xf32, #tpu.memory_space<hbm>>, %arg3: memref<98x8x128xi32, #tpu.memory_space<hbm>>, %arg4: memref<98x8x128xf32, #tpu.memory_space<hbm>>, %arg5: memref<8x128xi32, #tpu.memory_space<vmem>>, %arg6: memref<8x128xf32, #tpu.memory_space<vmem>>, %arg7: memref<!tpu.dma_semaphore, #tpu.memory_space<semaphore_mem>>) attributes {dimension_semantics = [#tpu.dimension_semantics<core_parallel>, #tpu.dimension_semantics<subcore_parallel>], iteration_bounds = array<i64: 2, 16>, scalar_prefetch = 0 : i64, scratch_operands = 3 : i64, tpu.core_type = #tpu.core_type<sc_vector_subcore>, window_params = [{transform_indices = #map}, {transform_indices = #map1}, {transform_indices = #map1}]} {
    %mul3A = arith.constant 2 : i32
    %mul3A_0 = arith.muli %arg1, %mul3A : i32
    %add3A = arith.addi %mul3A_0, %arg0 : i32
    %scan3A = arith.constant 0 : i32
    %scan3A_1 = arith.constant 0 : i32
    %scan3A_2 = arith.constant 4 : i32
    %scan3A_3 = arith.addi %scan3A_1, %scan3A_2 : i32
    %scan3A_4 = arith.constant 1 : i32
    scf.for %scan3A_6 = %scan3A_1 to %scan3A_3 step %scan3A_4  : i32 {
      %mul3A_7 = arith.constant 32 : i32
      %mul3A_8 = arith.muli %mul3A_7, %scan3A_6 : i32
      %add3A_9 = arith.addi %add3A, %mul3A_8 : i32
      %lt3A = arith.constant 98 : i32
      %lt3A_10 = arith.cmpi slt, %add3A_9, %lt3A : i32
      %convert_element_type3A = arith.extui %lt3A_10 : i1 to i32
      %cond3A = arith.constant 0 : i32
      %cond3A_11 = arith.cmpi ne, %convert_element_type3A, %cond3A : i32
      scf.if %cond3A_11 {
        "tpu.region"() ({
          %run_scoped3A = tpu.sem_alloc : memref<!tpu.dma_semaphore, #tpu.memory_space<semaphore_mem>>
          %dma_start3A_170 = arith.constant 0 : i32
          %dma_start3A_171 = arith.constant 0 : i32
          %dma_start3A_172 = tpu.memref_slice %arg3[%add3A_9, %dma_start3A_170, %dma_start3A_171] : memref<98x8x128xi32, #tpu.memory_space<hbm>> -> memref<1x8x128xi32, #tpu.memory_space<hbm>>
          %dma_start3A_173 = tpu.memref_squeeze %dma_start3A_172 : memref<1x8x128xi32, #tpu.memory_space<hbm>> -> memref<8x128xi32, #tpu.memory_space<hbm>>
          %dma_start3A_174 = arith.constant 0 : i32
          %dma_start3A_175 = arith.constant 0 : i32
          %dma_start3A_176 = tpu.memref_slice %arg3[%add3A_9, %dma_start3A_174, %dma_start3A_175] : memref<98x8x128xi32, #tpu.memory_space<hbm>> -> memref<1x8x128xi32, #tpu.memory_space<hbm>>
          %dma_start3A_177 = tpu.memref_squeeze %dma_start3A_176 : memref<1x8x128xi32, #tpu.memory_space<hbm>> -> memref<8x128xi32, #tpu.memory_space<hbm>>
          tpu.enqueue_dma source(%dma_start3A_177 : memref<8x128xi32, #tpu.memory_space<hbm>>) target(%arg5 : memref<8x128xi32, #tpu.memory_space<vmem>>) target_semaphore(%run_scoped3A : memref<!tpu.dma_semaphore, #tpu.memory_space<semaphore_mem>>)
          %dma_wait3A_178 = arith.constant 0 : i32
          %dma_wait3A_179 = arith.constant 0 : i32
          %dma_wait3A_180 = tpu.memref_slice %arg3[%add3A_9, %dma_wait3A_178, %dma_wait3A_179] : memref<98x8x128xi32, #tpu.memory_space<hbm>> -> memref<1x8x128xi32, #tpu.memory_space<hbm>>
          %dma_wait3A_181 = tpu.memref_squeeze %dma_wait3A_180 : memref<1x8x128xi32, #tpu.memory_space<hbm>> -> memref<8x128xi32, #tpu.memory_space<hbm>>
          %dma_wait3A_182 = arith.constant 0 : i32
          %dma_wait3A_183 = arith.constant 0 : i32
          %dma_wait3A_184 = tpu.memref_slice %arg3[%add3A_9, %dma_wait3A_182, %dma_wait3A_183] : memref<98x8x128xi32, #tpu.memory_space<hbm>> -> memref<1x8x128xi32, #tpu.memory_space<hbm>>
          %dma_wait3A_185 = tpu.memref_squeeze %dma_wait3A_184 : memref<1x8x128xi32, #tpu.memory_space<hbm>> -> memref<8x128xi32, #tpu.memory_space<hbm>>
          tpu.wait_dma2 semaphore(%run_scoped3A : memref<!tpu.dma_semaphore, #tpu.memory_space<semaphore_mem>>) src(%dma_wait3A_185 : memref<8x128xi32, #tpu.memory_space<hbm>>) dst(%arg5 : memref<8x128xi32, #tpu.memory_space<vmem>>)
          tpu.yield
        }) : () -> ()
        %dma_start3A = arith.constant 0 : i32
        %dma_start3A_12 = arith.constant 0 : i32
        %dma_start3A_13 = arith.constant 0 : i32
        %dma_start3A_14 = tpu.memref_slice %arg6[%dma_start3A_12, %dma_start3A_13] : memref<8x128xf32, #tpu.memory_space<vmem>> -> memref<1x128xf32, #tpu.memory_space<vmem>>
        %dma_start3A_15 = tpu.memref_squeeze %dma_start3A_14 : memref<1x128xf32, #tpu.memory_space<vmem>> -> memref<128xf32, #tpu.memory_space<vmem>>
        %dma_start3A_16 = arith.constant 0 : i32
        %dma_start3A_17 = tpu.memref_slice %arg5[%dma_start3A, %dma_start3A_16] : memref<8x128xi32, #tpu.memory_space<vmem>> -> memref<1x128xi32, #tpu.memory_space<vmem>>
        %dma_start3A_18 = tpu.memref_squeeze %dma_start3A_17 : memref<1x128xi32, #tpu.memory_space<vmem>> -> memref<128xi32, #tpu.memory_space<vmem>>
        %dma_start3A_19 = arith.constant 0 : i32
        %dma_start3A_20 = tpu.memref_slice %arg2[%dma_start3A_19] : memref<108000xf32, #tpu.memory_space<hbm>> -> memref<108000xf32, #tpu.memory_space<hbm>>
        tpu.enqueue_indirect_dma source(%dma_start3A_20 : memref<108000xf32, #tpu.memory_space<hbm>>) target(%dma_start3A_15 : memref<128xf32, #tpu.memory_space<vmem>>) offsets(%dma_start3A_18 : memref<128xi32, #tpu.memory_space<vmem>>) semaphore(%arg7 : memref<!tpu.dma_semaphore, #tpu.memory_space<semaphore_mem>>)
        %dma_start3A_21 = arith.constant 1 : i32
        %dma_start3A_22 = arith.constant 1 : i32
        %dma_start3A_23 = arith.constant 0 : i32
        %dma_start3A_24 = tpu.memref_slice %arg6[%dma_start3A_22, %dma_start3A_23] : memref<8x128xf32, #tpu.memory_space<vmem>> -> memref<1x128xf32, #tpu.memory_space<vmem>>
        %dma_start3A_25 = tpu.memref_squeeze %dma_start3A_24 : memref<1x128xf32, #tpu.memory_space<vmem>> -> memref<128xf32, #tpu.memory_space<vmem>>
        %dma_start3A_26 = arith.constant 0 : i32
        %dma_start3A_27 = tpu.memref_slice %arg5[%dma_start3A_21, %dma_start3A_26] : memref<8x128xi32, #tpu.memory_space<vmem>> -> memref<1x128xi32, #tpu.memory_space<vmem>>
        %dma_start3A_28 = tpu.memref_squeeze %dma_start3A_27 : memref<1x128xi32, #tpu.memory_space<vmem>> -> memref<128xi32, #tpu.memory_space<vmem>>
        %dma_start3A_29 = arith.constant 0 : i32
        %dma_start3A_30 = tpu.memref_slice %arg2[%dma_start3A_29] : memref<108000xf32, #tpu.memory_space<hbm>> -> memref<108000xf32, #tpu.memory_space<hbm>>
        tpu.enqueue_indirect_dma source(%dma_start3A_30 : memref<108000xf32, #tpu.memory_space<hbm>>) target(%dma_start3A_25 : memref<128xf32, #tpu.memory_space<vmem>>) offsets(%dma_start3A_28 : memref<128xi32, #tpu.memory_space<vmem>>) semaphore(%arg7 : memref<!tpu.dma_semaphore, #tpu.memory_space<semaphore_mem>>)
        %dma_start3A_31 = arith.constant 2 : i32
        %dma_start3A_32 = arith.constant 2 : i32
        %dma_start3A_33 = arith.constant 0 : i32
        %dma_start3A_34 = tpu.memref_slice %arg6[%dma_start3A_32, %dma_start3A_33] : memref<8x128xf32, #tpu.memory_space<vmem>> -> memref<1x128xf32, #tpu.memory_space<vmem>>
        %dma_start3A_35 = tpu.memref_squeeze %dma_start3A_34 : memref<1x128xf32, #tpu.memory_space<vmem>> -> memref<128xf32, #tpu.memory_space<vmem>>
        %dma_start3A_36 = arith.constant 0 : i32
        %dma_start3A_37 = tpu.memref_slice %arg5[%dma_start3A_31, %dma_start3A_36] : memref<8x128xi32, #tpu.memory_space<vmem>> -> memref<1x128xi32, #tpu.memory_space<vmem>>
        %dma_start3A_38 = tpu.memref_squeeze %dma_start3A_37 : memref<1x128xi32, #tpu.memory_space<vmem>> -> memref<128xi32, #tpu.memory_space<vmem>>
        %dma_start3A_39 = arith.constant 0 : i32
        %dma_start3A_40 = tpu.memref_slice %arg2[%dma_start3A_39] : memref<108000xf32, #tpu.memory_space<hbm>> -> memref<108000xf32, #tpu.memory_space<hbm>>
        tpu.enqueue_indirect_dma source(%dma_start3A_40 : memref<108000xf32, #tpu.memory_space<hbm>>) target(%dma_start3A_35 : memref<128xf32, #tpu.memory_space<vmem>>) offsets(%dma_start3A_38 : memref<128xi32, #tpu.memory_space<vmem>>) semaphore(%arg7 : memref<!tpu.dma_semaphore, #tpu.memory_space<semaphore_mem>>)
        %dma_start3A_41 = arith.constant 3 : i32
        %dma_start3A_42 = arith.constant 3 : i32
        %dma_start3A_43 = arith.constant 0 : i32
        %dma_start3A_44 = tpu.memref_slice %arg6[%dma_start3A_42, %dma_start3A_43] : memref<8x128xf32, #tpu.memory_space<vmem>> -> memref<1x128xf32, #tpu.memory_space<vmem>>
        %dma_start3A_45 = tpu.memref_squeeze %dma_start3A_44 : memref<1x128xf32, #tpu.memory_space<vmem>> -> memref<128xf32, #tpu.memory_space<vmem>>
        %dma_start3A_46 = arith.constant 0 : i32
        %dma_start3A_47 = tpu.memref_slice %arg5[%dma_start3A_41, %dma_start3A_46] : memref<8x128xi32, #tpu.memory_space<vmem>> -> memref<1x128xi32, #tpu.memory_space<vmem>>
        %dma_start3A_48 = tpu.memref_squeeze %dma_start3A_47 : memref<1x128xi32, #tpu.memory_space<vmem>> -> memref<128xi32, #tpu.memory_space<vmem>>
        %dma_start3A_49 = arith.constant 0 : i32
        %dma_start3A_50 = tpu.memref_slice %arg2[%dma_start3A_49] : memref<108000xf32, #tpu.memory_space<hbm>> -> memref<108000xf32, #tpu.memory_space<hbm>>
        tpu.enqueue_indirect_dma source(%dma_start3A_50 : memref<108000xf32, #tpu.memory_space<hbm>>) target(%dma_start3A_45 : memref<128xf32, #tpu.memory_space<vmem>>) offsets(%dma_start3A_48 : memref<128xi32, #tpu.memory_space<vmem>>) semaphore(%arg7 : memref<!tpu.dma_semaphore, #tpu.memory_space<semaphore_mem>>)
        %dma_start3A_51 = arith.constant 4 : i32
        %dma_start3A_52 = arith.constant 4 : i32
        %dma_start3A_53 = arith.constant 0 : i32
        %dma_start3A_54 = tpu.memref_slice %arg6[%dma_start3A_52, %dma_start3A_53] : memref<8x128xf32, #tpu.memory_space<vmem>> -> memref<1x128xf32, #tpu.memory_space<vmem>>
        %dma_start3A_55 = tpu.memref_squeeze %dma_start3A_54 : memref<1x128xf32, #tpu.memory_space<vmem>> -> memref<128xf32, #tpu.memory_space<vmem>>
        %dma_start3A_56 = arith.constant 0 : i32
        %dma_start3A_57 = tpu.memref_slice %arg5[%dma_start3A_51, %dma_start3A_56] : memref<8x128xi32, #tpu.memory_space<vmem>> -> memref<1x128xi32, #tpu.memory_space<vmem>>
        %dma_start3A_58 = tpu.memref_squeeze %dma_start3A_57 : memref<1x128xi32, #tpu.memory_space<vmem>> -> memref<128xi32, #tpu.memory_space<vmem>>
        %dma_start3A_59 = arith.constant 0 : i32
        %dma_start3A_60 = tpu.memref_slice %arg2[%dma_start3A_59] : memref<108000xf32, #tpu.memory_space<hbm>> -> memref<108000xf32, #tpu.memory_space<hbm>>
        tpu.enqueue_indirect_dma source(%dma_start3A_60 : memref<108000xf32, #tpu.memory_space<hbm>>) target(%dma_start3A_55 : memref<128xf32, #tpu.memory_space<vmem>>) offsets(%dma_start3A_58 : memref<128xi32, #tpu.memory_space<vmem>>) semaphore(%arg7 : memref<!tpu.dma_semaphore, #tpu.memory_space<semaphore_mem>>)
        %dma_start3A_61 = arith.constant 5 : i32
        %dma_start3A_62 = arith.constant 5 : i32
        %dma_start3A_63 = arith.constant 0 : i32
        %dma_start3A_64 = tpu.memref_slice %arg6[%dma_start3A_62, %dma_start3A_63] : memref<8x128xf32, #tpu.memory_space<vmem>> -> memref<1x128xf32, #tpu.memory_space<vmem>>
        %dma_start3A_65 = tpu.memref_squeeze %dma_start3A_64 : memref<1x128xf32, #tpu.memory_space<vmem>> -> memref<128xf32, #tpu.memory_space<vmem>>
        %dma_start3A_66 = arith.constant 0 : i32
        %dma_start3A_67 = tpu.memref_slice %arg5[%dma_start3A_61, %dma_start3A_66] : memref<8x128xi32, #tpu.memory_space<vmem>> -> memref<1x128xi32, #tpu.memory_space<vmem>>
        %dma_start3A_68 = tpu.memref_squeeze %dma_start3A_67 : memref<1x128xi32, #tpu.memory_space<vmem>> -> memref<128xi32, #tpu.memory_space<vmem>>
        %dma_start3A_69 = arith.constant 0 : i32
        %dma_start3A_70 = tpu.memref_slice %arg2[%dma_start3A_69] : memref<108000xf32, #tpu.memory_space<hbm>> -> memref<108000xf32, #tpu.memory_space<hbm>>
        tpu.enqueue_indirect_dma source(%dma_start3A_70 : memref<108000xf32, #tpu.memory_space<hbm>>) target(%dma_start3A_65 : memref<128xf32, #tpu.memory_space<vmem>>) offsets(%dma_start3A_68 : memref<128xi32, #tpu.memory_space<vmem>>) semaphore(%arg7 : memref<!tpu.dma_semaphore, #tpu.memory_space<semaphore_mem>>)
        %dma_start3A_71 = arith.constant 6 : i32
        %dma_start3A_72 = arith.constant 6 : i32
        %dma_start3A_73 = arith.constant 0 : i32
        %dma_start3A_74 = tpu.memref_slice %arg6[%dma_start3A_72, %dma_start3A_73] : memref<8x128xf32, #tpu.memory_space<vmem>> -> memref<1x128xf32, #tpu.memory_space<vmem>>
        %dma_start3A_75 = tpu.memref_squeeze %dma_start3A_74 : memref<1x128xf32, #tpu.memory_space<vmem>> -> memref<128xf32, #tpu.memory_space<vmem>>
        %dma_start3A_76 = arith.constant 0 : i32
        %dma_start3A_77 = tpu.memref_slice %arg5[%dma_start3A_71, %dma_start3A_76] : memref<8x128xi32, #tpu.memory_space<vmem>> -> memref<1x128xi32, #tpu.memory_space<vmem>>
        %dma_start3A_78 = tpu.memref_squeeze %dma_start3A_77 : memref<1x128xi32, #tpu.memory_space<vmem>> -> memref<128xi32, #tpu.memory_space<vmem>>
        %dma_start3A_79 = arith.constant 0 : i32
        %dma_start3A_80 = tpu.memref_slice %arg2[%dma_start3A_79] : memref<108000xf32, #tpu.memory_space<hbm>> -> memref<108000xf32, #tpu.memory_space<hbm>>
        tpu.enqueue_indirect_dma source(%dma_start3A_80 : memref<108000xf32, #tpu.memory_space<hbm>>) target(%dma_start3A_75 : memref<128xf32, #tpu.memory_space<vmem>>) offsets(%dma_start3A_78 : memref<128xi32, #tpu.memory_space<vmem>>) semaphore(%arg7 : memref<!tpu.dma_semaphore, #tpu.memory_space<semaphore_mem>>)
        %dma_start3A_81 = arith.constant 7 : i32
        %dma_start3A_82 = arith.constant 7 : i32
        %dma_start3A_83 = arith.constant 0 : i32
        %dma_start3A_84 = tpu.memref_slice %arg6[%dma_start3A_82, %dma_start3A_83] : memref<8x128xf32, #tpu.memory_space<vmem>> -> memref<1x128xf32, #tpu.memory_space<vmem>>
        %dma_start3A_85 = tpu.memref_squeeze %dma_start3A_84 : memref<1x128xf32, #tpu.memory_space<vmem>> -> memref<128xf32, #tpu.memory_space<vmem>>
        %dma_start3A_86 = arith.constant 0 : i32
        %dma_start3A_87 = tpu.memref_slice %arg5[%dma_start3A_81, %dma_start3A_86] : memref<8x128xi32, #tpu.memory_space<vmem>> -> memref<1x128xi32, #tpu.memory_space<vmem>>
        %dma_start3A_88 = tpu.memref_squeeze %dma_start3A_87 : memref<1x128xi32, #tpu.memory_space<vmem>> -> memref<128xi32, #tpu.memory_space<vmem>>
        %dma_start3A_89 = arith.constant 0 : i32
        %dma_start3A_90 = tpu.memref_slice %arg2[%dma_start3A_89] : memref<108000xf32, #tpu.memory_space<hbm>> -> memref<108000xf32, #tpu.memory_space<hbm>>
        tpu.enqueue_indirect_dma source(%dma_start3A_90 : memref<108000xf32, #tpu.memory_space<hbm>>) target(%dma_start3A_85 : memref<128xf32, #tpu.memory_space<vmem>>) offsets(%dma_start3A_88 : memref<128xi32, #tpu.memory_space<vmem>>) semaphore(%arg7 : memref<!tpu.dma_semaphore, #tpu.memory_space<semaphore_mem>>)
        %dma_wait3A = arith.constant 0 : i32
        %dma_wait3A_91 = arith.constant 0 : i32
        %dma_wait3A_92 = arith.constant 0 : i32
        %dma_wait3A_93 = tpu.memref_slice %arg6[%dma_wait3A_91, %dma_wait3A_92] : memref<8x128xf32, #tpu.memory_space<vmem>> -> memref<1x128xf32, #tpu.memory_space<vmem>>
        %dma_wait3A_94 = tpu.memref_squeeze %dma_wait3A_93 : memref<1x128xf32, #tpu.memory_space<vmem>> -> memref<128xf32, #tpu.memory_space<vmem>>
        %dma_wait3A_95 = arith.constant 0 : i32
        %dma_wait3A_96 = tpu.memref_slice %arg5[%dma_wait3A, %dma_wait3A_95] : memref<8x128xi32, #tpu.memory_space<vmem>> -> memref<1x128xi32, #tpu.memory_space<vmem>>
        %dma_wait3A_97 = tpu.memref_squeeze %dma_wait3A_96 : memref<1x128xi32, #tpu.memory_space<vmem>> -> memref<128xi32, #tpu.memory_space<vmem>>
        %dma_wait3A_98 = arith.constant 0 : i32
        %dma_wait3A_99 = tpu.memref_slice %arg2[%dma_wait3A_98] : memref<108000xf32, #tpu.memory_space<hbm>> -> memref<108000xf32, #tpu.memory_space<hbm>>
        tpu.wait_indirect_dma semaphore(%arg7 : memref<!tpu.dma_semaphore, #tpu.memory_space<semaphore_mem>>) src(%dma_wait3A_99 : memref<108000xf32, #tpu.memory_space<hbm>>) dst(%dma_wait3A_94 : memref<128xf32, #tpu.memory_space<vmem>>)
        %dma_wait3A_100 = arith.constant 1 : i32
        %dma_wait3A_101 = arith.constant 1 : i32
        %dma_wait3A_102 = arith.constant 0 : i32
        %dma_wait3A_103 = tpu.memref_slice %arg6[%dma_wait3A_101, %dma_wait3A_102] : memref<8x128xf32, #tpu.memory_space<vmem>> -> memref<1x128xf32, #tpu.memory_space<vmem>>
        %dma_wait3A_104 = tpu.memref_squeeze %dma_wait3A_103 : memref<1x128xf32, #tpu.memory_space<vmem>> -> memref<128xf32, #tpu.memory_space<vmem>>
        %dma_wait3A_105 = arith.constant 0 : i32
        %dma_wait3A_106 = tpu.memref_slice %arg5[%dma_wait3A_100, %dma_wait3A_105] : memref<8x128xi32, #tpu.memory_space<vmem>> -> memref<1x128xi32, #tpu.memory_space<vmem>>
        %dma_wait3A_107 = tpu.memref_squeeze %dma_wait3A_106 : memref<1x128xi32, #tpu.memory_space<vmem>> -> memref<128xi32, #tpu.memory_space<vmem>>
        %dma_wait3A_108 = arith.constant 0 : i32
        %dma_wait3A_109 = tpu.memref_slice %arg2[%dma_wait3A_108] : memref<108000xf32, #tpu.memory_space<hbm>> -> memref<108000xf32, #tpu.memory_space<hbm>>
        tpu.wait_indirect_dma semaphore(%arg7 : memref<!tpu.dma_semaphore, #tpu.memory_space<semaphore_mem>>) src(%dma_wait3A_109 : memref<108000xf32, #tpu.memory_space<hbm>>) dst(%dma_wait3A_104 : memref<128xf32, #tpu.memory_space<vmem>>)
        %dma_wait3A_110 = arith.constant 2 : i32
        %dma_wait3A_111 = arith.constant 2 : i32
        %dma_wait3A_112 = arith.constant 0 : i32
        %dma_wait3A_113 = tpu.memref_slice %arg6[%dma_wait3A_111, %dma_wait3A_112] : memref<8x128xf32, #tpu.memory_space<vmem>> -> memref<1x128xf32, #tpu.memory_space<vmem>>
        %dma_wait3A_114 = tpu.memref_squeeze %dma_wait3A_113 : memref<1x128xf32, #tpu.memory_space<vmem>> -> memref<128xf32, #tpu.memory_space<vmem>>
        %dma_wait3A_115 = arith.constant 0 : i32
        %dma_wait3A_116 = tpu.memref_slice %arg5[%dma_wait3A_110, %dma_wait3A_115] : memref<8x128xi32, #tpu.memory_space<vmem>> -> memref<1x128xi32, #tpu.memory_space<vmem>>
        %dma_wait3A_117 = tpu.memref_squeeze %dma_wait3A_116 : memref<1x128xi32, #tpu.memory_space<vmem>> -> memref<128xi32, #tpu.memory_space<vmem>>
        %dma_wait3A_118 = arith.constant 0 : i32
        %dma_wait3A_119 = tpu.memref_slice %arg2[%dma_wait3A_118] : memref<108000xf32, #tpu.memory_space<hbm>> -> memref<108000xf32, #tpu.memory_space<hbm>>
        tpu.wait_indirect_dma semaphore(%arg7 : memref<!tpu.dma_semaphore, #tpu.memory_space<semaphore_mem>>) src(%dma_wait3A_119 : memref<108000xf32, #tpu.memory_space<hbm>>) dst(%dma_wait3A_114 : memref<128xf32, #tpu.memory_space<vmem>>)
        %dma_wait3A_120 = arith.constant 3 : i32
        %dma_wait3A_121 = arith.constant 3 : i32
        %dma_wait3A_122 = arith.constant 0 : i32
        %dma_wait3A_123 = tpu.memref_slice %arg6[%dma_wait3A_121, %dma_wait3A_122] : memref<8x128xf32, #tpu.memory_space<vmem>> -> memref<1x128xf32, #tpu.memory_space<vmem>>
        %dma_wait3A_124 = tpu.memref_squeeze %dma_wait3A_123 : memref<1x128xf32, #tpu.memory_space<vmem>> -> memref<128xf32, #tpu.memory_space<vmem>>
        %dma_wait3A_125 = arith.constant 0 : i32
        %dma_wait3A_126 = tpu.memref_slice %arg5[%dma_wait3A_120, %dma_wait3A_125] : memref<8x128xi32, #tpu.memory_space<vmem>> -> memref<1x128xi32, #tpu.memory_space<vmem>>
        %dma_wait3A_127 = tpu.memref_squeeze %dma_wait3A_126 : memref<1x128xi32, #tpu.memory_space<vmem>> -> memref<128xi32, #tpu.memory_space<vmem>>
        %dma_wait3A_128 = arith.constant 0 : i32
        %dma_wait3A_129 = tpu.memref_slice %arg2[%dma_wait3A_128] : memref<108000xf32, #tpu.memory_space<hbm>> -> memref<108000xf32, #tpu.memory_space<hbm>>
        tpu.wait_indirect_dma semaphore(%arg7 : memref<!tpu.dma_semaphore, #tpu.memory_space<semaphore_mem>>) src(%dma_wait3A_129 : memref<108000xf32, #tpu.memory_space<hbm>>) dst(%dma_wait3A_124 : memref<128xf32, #tpu.memory_space<vmem>>)
        %dma_wait3A_130 = arith.constant 4 : i32
        %dma_wait3A_131 = arith.constant 4 : i32
        %dma_wait3A_132 = arith.constant 0 : i32
        %dma_wait3A_133 = tpu.memref_slice %arg6[%dma_wait3A_131, %dma_wait3A_132] : memref<8x128xf32, #tpu.memory_space<vmem>> -> memref<1x128xf32, #tpu.memory_space<vmem>>
        %dma_wait3A_134 = tpu.memref_squeeze %dma_wait3A_133 : memref<1x128xf32, #tpu.memory_space<vmem>> -> memref<128xf32, #tpu.memory_space<vmem>>
        %dma_wait3A_135 = arith.constant 0 : i32
        %dma_wait3A_136 = tpu.memref_slice %arg5[%dma_wait3A_130, %dma_wait3A_135] : memref<8x128xi32, #tpu.memory_space<vmem>> -> memref<1x128xi32, #tpu.memory_space<vmem>>
        %dma_wait3A_137 = tpu.memref_squeeze %dma_wait3A_136 : memref<1x128xi32, #tpu.memory_space<vmem>> -> memref<128xi32, #tpu.memory_space<vmem>>
        %dma_wait3A_138 = arith.constant 0 : i32
        %dma_wait3A_139 = tpu.memref_slice %arg2[%dma_wait3A_138] : memref<108000xf32, #tpu.memory_space<hbm>> -> memref<108000xf32, #tpu.memory_space<hbm>>
        tpu.wait_indirect_dma semaphore(%arg7 : memref<!tpu.dma_semaphore, #tpu.memory_space<semaphore_mem>>) src(%dma_wait3A_139 : memref<108000xf32, #tpu.memory_space<hbm>>) dst(%dma_wait3A_134 : memref<128xf32, #tpu.memory_space<vmem>>)
        %dma_wait3A_140 = arith.constant 5 : i32
        %dma_wait3A_141 = arith.constant 5 : i32
        %dma_wait3A_142 = arith.constant 0 : i32
        %dma_wait3A_143 = tpu.memref_slice %arg6[%dma_wait3A_141, %dma_wait3A_142] : memref<8x128xf32, #tpu.memory_space<vmem>> -> memref<1x128xf32, #tpu.memory_space<vmem>>
        %dma_wait3A_144 = tpu.memref_squeeze %dma_wait3A_143 : memref<1x128xf32, #tpu.memory_space<vmem>> -> memref<128xf32, #tpu.memory_space<vmem>>
        %dma_wait3A_145 = arith.constant 0 : i32
        %dma_wait3A_146 = tpu.memref_slice %arg5[%dma_wait3A_140, %dma_wait3A_145] : memref<8x128xi32, #tpu.memory_space<vmem>> -> memref<1x128xi32, #tpu.memory_space<vmem>>
        %dma_wait3A_147 = tpu.memref_squeeze %dma_wait3A_146 : memref<1x128xi32, #tpu.memory_space<vmem>> -> memref<128xi32, #tpu.memory_space<vmem>>
        %dma_wait3A_148 = arith.constant 0 : i32
        %dma_wait3A_149 = tpu.memref_slice %arg2[%dma_wait3A_148] : memref<108000xf32, #tpu.memory_space<hbm>> -> memref<108000xf32, #tpu.memory_space<hbm>>
        tpu.wait_indirect_dma semaphore(%arg7 : memref<!tpu.dma_semaphore, #tpu.memory_space<semaphore_mem>>) src(%dma_wait3A_149 : memref<108000xf32, #tpu.memory_space<hbm>>) dst(%dma_wait3A_144 : memref<128xf32, #tpu.memory_space<vmem>>)
        %dma_wait3A_150 = arith.constant 6 : i32
        %dma_wait3A_151 = arith.constant 6 : i32
        %dma_wait3A_152 = arith.constant 0 : i32
        %dma_wait3A_153 = tpu.memref_slice %arg6[%dma_wait3A_151, %dma_wait3A_152] : memref<8x128xf32, #tpu.memory_space<vmem>> -> memref<1x128xf32, #tpu.memory_space<vmem>>
        %dma_wait3A_154 = tpu.memref_squeeze %dma_wait3A_153 : memref<1x128xf32, #tpu.memory_space<vmem>> -> memref<128xf32, #tpu.memory_space<vmem>>
        %dma_wait3A_155 = arith.constant 0 : i32
        %dma_wait3A_156 = tpu.memref_slice %arg5[%dma_wait3A_150, %dma_wait3A_155] : memref<8x128xi32, #tpu.memory_space<vmem>> -> memref<1x128xi32, #tpu.memory_space<vmem>>
        %dma_wait3A_157 = tpu.memref_squeeze %dma_wait3A_156 : memref<1x128xi32, #tpu.memory_space<vmem>> -> memref<128xi32, #tpu.memory_space<vmem>>
        %dma_wait3A_158 = arith.constant 0 : i32
        %dma_wait3A_159 = tpu.memref_slice %arg2[%dma_wait3A_158] : memref<108000xf32, #tpu.memory_space<hbm>> -> memref<108000xf32, #tpu.memory_space<hbm>>
        tpu.wait_indirect_dma semaphore(%arg7 : memref<!tpu.dma_semaphore, #tpu.memory_space<semaphore_mem>>) src(%dma_wait3A_159 : memref<108000xf32, #tpu.memory_space<hbm>>) dst(%dma_wait3A_154 : memref<128xf32, #tpu.memory_space<vmem>>)
        %dma_wait3A_160 = arith.constant 7 : i32
        %dma_wait3A_161 = arith.constant 7 : i32
        %dma_wait3A_162 = arith.constant 0 : i32
        %dma_wait3A_163 = tpu.memref_slice %arg6[%dma_wait3A_161, %dma_wait3A_162] : memref<8x128xf32, #tpu.memory_space<vmem>> -> memref<1x128xf32, #tpu.memory_space<vmem>>
        %dma_wait3A_164 = tpu.memref_squeeze %dma_wait3A_163 : memref<1x128xf32, #tpu.memory_space<vmem>> -> memref<128xf32, #tpu.memory_space<vmem>>
        %dma_wait3A_165 = arith.constant 0 : i32
        %dma_wait3A_166 = tpu.memref_slice %arg5[%dma_wait3A_160, %dma_wait3A_165] : memref<8x128xi32, #tpu.memory_space<vmem>> -> memref<1x128xi32, #tpu.memory_space<vmem>>
        %dma_wait3A_167 = tpu.memref_squeeze %dma_wait3A_166 : memref<1x128xi32, #tpu.memory_space<vmem>> -> memref<128xi32, #tpu.memory_space<vmem>>
        %dma_wait3A_168 = arith.constant 0 : i32
        %dma_wait3A_169 = tpu.memref_slice %arg2[%dma_wait3A_168] : memref<108000xf32, #tpu.memory_space<hbm>> -> memref<108000xf32, #tpu.memory_space<hbm>>
        tpu.wait_indirect_dma semaphore(%arg7 : memref<!tpu.dma_semaphore, #tpu.memory_space<semaphore_mem>>) src(%dma_wait3A_169 : memref<108000xf32, #tpu.memory_space<hbm>>) dst(%dma_wait3A_164 : memref<128xf32, #tpu.memory_space<vmem>>)
        "tpu.region"() ({
          %run_scoped3A = tpu.sem_alloc : memref<!tpu.dma_semaphore, #tpu.memory_space<semaphore_mem>>
          %dma_start3A_170 = arith.constant 0 : i32
          %dma_start3A_171 = arith.constant 0 : i32
          %dma_start3A_172 = tpu.memref_slice %arg4[%add3A_9, %dma_start3A_170, %dma_start3A_171] : memref<98x8x128xf32, #tpu.memory_space<hbm>> -> memref<1x8x128xf32, #tpu.memory_space<hbm>>
          %dma_start3A_173 = tpu.memref_squeeze %dma_start3A_172 : memref<1x8x128xf32, #tpu.memory_space<hbm>> -> memref<8x128xf32, #tpu.memory_space<hbm>>
          %dma_start3A_174 = arith.constant 0 : i32
          %dma_start3A_175 = arith.constant 0 : i32
          %dma_start3A_176 = tpu.memref_slice %arg4[%add3A_9, %dma_start3A_174, %dma_start3A_175] : memref<98x8x128xf32, #tpu.memory_space<hbm>> -> memref<1x8x128xf32, #tpu.memory_space<hbm>>
          %dma_start3A_177 = tpu.memref_squeeze %dma_start3A_176 : memref<1x8x128xf32, #tpu.memory_space<hbm>> -> memref<8x128xf32, #tpu.memory_space<hbm>>
          tpu.enqueue_dma source(%arg6 : memref<8x128xf32, #tpu.memory_space<vmem>>) target(%dma_start3A_177 : memref<8x128xf32, #tpu.memory_space<hbm>>) target_semaphore(%run_scoped3A : memref<!tpu.dma_semaphore, #tpu.memory_space<semaphore_mem>>)
          %dma_wait3A_178 = arith.constant 0 : i32
          %dma_wait3A_179 = arith.constant 0 : i32
          %dma_wait3A_180 = tpu.memref_slice %arg4[%add3A_9, %dma_wait3A_178, %dma_wait3A_179] : memref<98x8x128xf32, #tpu.memory_space<hbm>> -> memref<1x8x128xf32, #tpu.memory_space<hbm>>
          %dma_wait3A_181 = tpu.memref_squeeze %dma_wait3A_180 : memref<1x8x128xf32, #tpu.memory_space<hbm>> -> memref<8x128xf32, #tpu.memory_space<hbm>>
          %dma_wait3A_182 = arith.constant 0 : i32
          %dma_wait3A_183 = arith.constant 0 : i32
          %dma_wait3A_184 = tpu.memref_slice %arg4[%add3A_9, %dma_wait3A_182, %dma_wait3A_183] : memref<98x8x128xf32, #tpu.memory_space<hbm>> -> memref<1x8x128xf32, #tpu.memory_space<hbm>>
          %dma_wait3A_185 = tpu.memref_squeeze %dma_wait3A_184 : memref<1x8x128xf32, #tpu.memory_space<hbm>> -> memref<8x128xf32, #tpu.memory_space<hbm>>
          tpu.wait_dma2 semaphore(%run_scoped3A : memref<!tpu.dma_semaphore, #tpu.memory_space<semaphore_mem>>) src(%arg6 : memref<8x128xf32, #tpu.memory_space<vmem>>) dst(%dma_wait3A_185 : memref<8x128xf32, #tpu.memory_space<hbm>>)
          tpu.yield
        }) : () -> ()
      } else {
      }
    }
    %scan3A_5 = arith.constant 4 : i32
    return
  }
}

#map = affine_map<(d0, d1) -> (0, 0)>
#map1 = affine_map<(d0, d1) -> (0)>
module attributes {stable_mosaic.version = 14 : i64} {
  func.func @scatter(%arg0: i32, %arg1: i32, %arg2: memref<100000x256xf32, #tpu.memory_space<hbm>>, %arg3: memref<100000xi32, #tpu.memory_space<hbm>>, %arg4: memref<108000x256xf32, #tpu.memory_space<hbm>>, %arg5: memref<2x128xi32, #tpu.memory_space<vmem>>, %arg6: memref<2x128x256xf32, #tpu.memory_space<vmem>>, %arg7: memref<32xi32, #tpu.memory_space<vmem>>, %arg8: memref<32x256xf32, #tpu.memory_space<vmem>>, %arg9: memref<!tpu.dma_semaphore, #tpu.memory_space<semaphore_mem>>, %arg10: memref<!tpu.dma_semaphore, #tpu.memory_space<semaphore_mem>>, %arg11: memref<!tpu.dma_semaphore, #tpu.memory_space<semaphore_mem>>, %arg12: memref<!tpu.dma_semaphore, #tpu.memory_space<semaphore_mem>>, %arg13: memref<!tpu.dma_semaphore, #tpu.memory_space<semaphore_mem>>) attributes {dimension_semantics = [#tpu.dimension_semantics<core_parallel>, #tpu.dimension_semantics<subcore_parallel>], iteration_bounds = array<i64: 2, 16>, scalar_prefetch = 0 : i64, scratch_operands = 9 : i64, tpu.core_type = #tpu.core_type<sc_vector_subcore>, window_params = [{transform_indices = #map}, {transform_indices = #map1}, {transform_indices = #map}]} {
    %mul3A = arith.constant 2 : i32
    %mul3A_0 = arith.muli %arg1, %mul3A : i32
    %add3A = arith.addi %mul3A_0, %arg0 : i32
    %lt3A = arith.constant 781 : i32
    %lt3A_1 = arith.cmpi slt, %add3A, %lt3A : i32
    %convert_element_type3A = arith.extui %lt3A_1 : i1 to i32
    %cond3A = arith.constant 0 : i32
    %cond3A_2 = arith.cmpi ne, %convert_element_type3A, %cond3A : i32
    scf.if %cond3A_2 {
      %add3A_12 = arith.constant 0 : i32
      %add3A_13 = arith.addi %add3A, %add3A_12 : i32
      %mul3A_14 = arith.constant 128 : i32
      %mul3A_15 = arith.muli %add3A_13, %mul3A_14 : i32
      %dma_start3A = arith.constant 0 : i32
      %dma_start3A_16 = arith.constant 0 : i32
      %dma_start3A_17 = tpu.memref_slice %arg5[%dma_start3A, %dma_start3A_16] : memref<2x128xi32, #tpu.memory_space<vmem>> -> memref<1x128xi32, #tpu.memory_space<vmem>>
      %dma_start3A_18 = tpu.memref_squeeze %dma_start3A_17 : memref<1x128xi32, #tpu.memory_space<vmem>> -> memref<128xi32, #tpu.memory_space<vmem>>
      %dma_start3A_19 = tpu.memref_slice %arg3[%mul3A_15] : memref<100000xi32, #tpu.memory_space<hbm>> -> memref<128xi32, #tpu.memory_space<hbm>>
      %dma_start3A_20 = arith.constant 0 : i32
      %dma_start3A_21 = tpu.memref_slice %arg5[%dma_start3A, %dma_start3A_20] : memref<2x128xi32, #tpu.memory_space<vmem>> -> memref<1x128xi32, #tpu.memory_space<vmem>>
      %dma_start3A_22 = tpu.memref_squeeze %dma_start3A_21 : memref<1x128xi32, #tpu.memory_space<vmem>> -> memref<128xi32, #tpu.memory_space<vmem>>
      %dma_start3A_23 = tpu.memref_slice %arg3[%mul3A_15] : memref<100000xi32, #tpu.memory_space<hbm>> -> memref<128xi32, #tpu.memory_space<hbm>>
      tpu.enqueue_dma source(%dma_start3A_23 : memref<128xi32, #tpu.memory_space<hbm>>) target(%dma_start3A_22 : memref<128xi32, #tpu.memory_space<vmem>>) target_semaphore(%arg9 : memref<!tpu.dma_semaphore, #tpu.memory_space<semaphore_mem>>)
      %dma_start3A_24 = arith.constant 0 : i32
      %dma_start3A_25 = arith.constant 0 : i32
      %dma_start3A_26 = arith.constant 0 : i32
      %dma_start3A_27 = tpu.memref_slice %arg6[%dma_start3A_24, %dma_start3A_25, %dma_start3A_26] : memref<2x128x256xf32, #tpu.memory_space<vmem>> -> memref<1x128x256xf32, #tpu.memory_space<vmem>>
      %dma_start3A_28 = tpu.memref_squeeze %dma_start3A_27 : memref<1x128x256xf32, #tpu.memory_space<vmem>> -> memref<128x256xf32, #tpu.memory_space<vmem>>
      %dma_start3A_29 = arith.constant 0 : i32
      %dma_start3A_30 = tpu.memref_slice %arg2[%mul3A_15, %dma_start3A_29] : memref<100000x256xf32, #tpu.memory_space<hbm>> -> memref<128x256xf32, #tpu.memory_space<hbm>>
      %dma_start3A_31 = arith.constant 0 : i32
      %dma_start3A_32 = arith.constant 0 : i32
      %dma_start3A_33 = tpu.memref_slice %arg6[%dma_start3A_24, %dma_start3A_31, %dma_start3A_32] : memref<2x128x256xf32, #tpu.memory_space<vmem>> -> memref<1x128x256xf32, #tpu.memory_space<vmem>>
      %dma_start3A_34 = tpu.memref_squeeze %dma_start3A_33 : memref<1x128x256xf32, #tpu.memory_space<vmem>> -> memref<128x256xf32, #tpu.memory_space<vmem>>
      %dma_start3A_35 = arith.constant 0 : i32
      %dma_start3A_36 = tpu.memref_slice %arg2[%mul3A_15, %dma_start3A_35] : memref<100000x256xf32, #tpu.memory_space<hbm>> -> memref<128x256xf32, #tpu.memory_space<hbm>>
      tpu.enqueue_dma source(%dma_start3A_36 : memref<128x256xf32, #tpu.memory_space<hbm>>) target(%dma_start3A_34 : memref<128x256xf32, #tpu.memory_space<vmem>>) target_semaphore(%arg9 : memref<!tpu.dma_semaphore, #tpu.memory_space<semaphore_mem>>)
    } else {
    }
    %scan3A = arith.constant 0 : i32
    %scan3A_3 = arith.constant 0 : i32
    %scan3A_4 = arith.constant 13 : i32
    %scan3A_5 = arith.addi %scan3A_3, %scan3A_4 : i32
    %scan3A_6 = arith.constant 1 : i32
    scf.for %scan3A_12 = %scan3A_3 to %scan3A_5 step %scan3A_6  : i32 {
      %mul3A_13 = arith.constant 2 : i32
      %mul3A_14 = arith.muli %mul3A_13, %scan3A_12 : i32
      %mul3A_15 = arith.constant 32 : i32
      %mul3A_16 = arith.muli %mul3A_15, %mul3A_14 : i32
      %add3A_17 = arith.addi %add3A, %mul3A_16 : i32
      %ge3A = arith.constant 1 : i32
      %ge3A_18 = arith.cmpi sge, %mul3A_14, %ge3A : i32
      %sub3A = arith.constant 32 : i32
      %sub3A_19 = arith.subi %add3A_17, %sub3A : i32
      %lt3A_20 = arith.constant 781 : i32
      %lt3A_21 = arith.cmpi slt, %sub3A_19, %lt3A_20 : i32
      %and3A = arith.andi %ge3A_18, %lt3A_21 : i1
      %convert_element_type3A_22 = arith.extui %and3A : i1 to i32
      %cond3A_23 = arith.constant 0 : i32
      %cond3A_24 = arith.cmpi ne, %convert_element_type3A_22, %cond3A_23 : i32
      scf.if %cond3A_24 {
        %dma_wait3A = arith.constant 1 : i32
        %dma_wait3A_66 = arith.constant 1 : i32
        %dma_wait3A_67 = arith.constant 0 : i32
        %dma_wait3A_68 = arith.constant 0 : i32
        %dma_wait3A_69 = tpu.memref_slice %arg6[%dma_wait3A, %dma_wait3A_67, %dma_wait3A_68] : memref<2x128x256xf32, #tpu.memory_space<vmem>> -> memref<1x128x256xf32, #tpu.memory_space<vmem>>
        %dma_wait3A_70 = tpu.memref_squeeze %dma_wait3A_69 : memref<1x128x256xf32, #tpu.memory_space<vmem>> -> memref<128x256xf32, #tpu.memory_space<vmem>>
        %dma_wait3A_71 = arith.constant 0 : i32
        %dma_wait3A_72 = tpu.memref_slice %arg5[%dma_wait3A_66, %dma_wait3A_71] : memref<2x128xi32, #tpu.memory_space<vmem>> -> memref<1x128xi32, #tpu.memory_space<vmem>>
        %dma_wait3A_73 = tpu.memref_squeeze %dma_wait3A_72 : memref<1x128xi32, #tpu.memory_space<vmem>> -> memref<128xi32, #tpu.memory_space<vmem>>
        %dma_wait3A_74 = arith.constant 0 : i32
        %dma_wait3A_75 = arith.constant 0 : i32
        %dma_wait3A_76 = tpu.memref_slice %arg4[%dma_wait3A_74, %dma_wait3A_75] : memref<108000x256xf32, #tpu.memory_space<hbm>> -> memref<108000x256xf32, #tpu.memory_space<hbm>>
        tpu.wait_indirect_dma semaphore(%arg12 : memref<!tpu.dma_semaphore, #tpu.memory_space<semaphore_mem>>) src(%dma_wait3A_70 : memref<128x256xf32, #tpu.memory_space<vmem>>) dst(%dma_wait3A_76 : memref<108000x256xf32, #tpu.memory_space<hbm>>)
      } else {
      }
      %add3A_25 = arith.constant 32 : i32
      %add3A_26 = arith.addi %add3A_17, %add3A_25 : i32
      %lt3A_27 = arith.constant 781 : i32
      %lt3A_28 = arith.cmpi slt, %add3A_26, %lt3A_27 : i32
      %convert_element_type3A_29 = arith.extui %lt3A_28 : i1 to i32
      %cond3A_30 = arith.constant 0 : i32
      %cond3A_31 = arith.cmpi ne, %convert_element_type3A_29, %cond3A_30 : i32
      scf.if %cond3A_31 {
        %add3A_66 = arith.constant 1 : i32
        %add3A_67 = arith.addi %mul3A_14, %add3A_66 : i32
        %mul3A_68 = arith.constant 32 : i32
        %mul3A_69 = arith.muli %mul3A_68, %add3A_67 : i32
        %add3A_70 = arith.addi %add3A, %mul3A_69 : i32
        %mul3A_71 = arith.constant 128 : i32
        %mul3A_72 = arith.muli %add3A_70, %mul3A_71 : i32
        %dma_start3A = arith.constant 1 : i32
        %dma_start3A_73 = arith.constant 0 : i32
        %dma_start3A_74 = tpu.memref_slice %arg5[%dma_start3A, %dma_start3A_73] : memref<2x128xi32, #tpu.memory_space<vmem>> -> memref<1x128xi32, #tpu.memory_space<vmem>>
        %dma_start3A_75 = tpu.memref_squeeze %dma_start3A_74 : memref<1x128xi32, #tpu.memory_space<vmem>> -> memref<128xi32, #tpu.memory_space<vmem>>
        %dma_start3A_76 = tpu.memref_slice %arg3[%mul3A_72] : memref<100000xi32, #tpu.memory_space<hbm>> -> memref<128xi32, #tpu.memory_space<hbm>>
        %dma_start3A_77 = arith.constant 0 : i32
        %dma_start3A_78 = tpu.memref_slice %arg5[%dma_start3A, %dma_start3A_77] : memref<2x128xi32, #tpu.memory_space<vmem>> -> memref<1x128xi32, #tpu.memory_space<vmem>>
        %dma_start3A_79 = tpu.memref_squeeze %dma_start3A_78 : memref<1x128xi32, #tpu.memory_space<vmem>> -> memref<128xi32, #tpu.memory_space<vmem>>
        %dma_start3A_80 = tpu.memref_slice %arg3[%mul3A_72] : memref<100000xi32, #tpu.memory_space<hbm>> -> memref<128xi32, #tpu.memory_space<hbm>>
        tpu.enqueue_dma source(%dma_start3A_80 : memref<128xi32, #tpu.memory_space<hbm>>) target(%dma_start3A_79 : memref<128xi32, #tpu.memory_space<vmem>>) target_semaphore(%arg10 : memref<!tpu.dma_semaphore, #tpu.memory_space<semaphore_mem>>)
        %dma_start3A_81 = arith.constant 1 : i32
        %dma_start3A_82 = arith.constant 0 : i32
        %dma_start3A_83 = arith.constant 0 : i32
        %dma_start3A_84 = tpu.memref_slice %arg6[%dma_start3A_81, %dma_start3A_82, %dma_start3A_83] : memref<2x128x256xf32, #tpu.memory_space<vmem>> -> memref<1x128x256xf32, #tpu.memory_space<vmem>>
        %dma_start3A_85 = tpu.memref_squeeze %dma_start3A_84 : memref<1x128x256xf32, #tpu.memory_space<vmem>> -> memref<128x256xf32, #tpu.memory_space<vmem>>
        %dma_start3A_86 = arith.constant 0 : i32
        %dma_start3A_87 = tpu.memref_slice %arg2[%mul3A_72, %dma_start3A_86] : memref<100000x256xf32, #tpu.memory_space<hbm>> -> memref<128x256xf32, #tpu.memory_space<hbm>>
        %dma_start3A_88 = arith.constant 0 : i32
        %dma_start3A_89 = arith.constant 0 : i32
        %dma_start3A_90 = tpu.memref_slice %arg6[%dma_start3A_81, %dma_start3A_88, %dma_start3A_89] : memref<2x128x256xf32, #tpu.memory_space<vmem>> -> memref<1x128x256xf32, #tpu.memory_space<vmem>>
        %dma_start3A_91 = tpu.memref_squeeze %dma_start3A_90 : memref<1x128x256xf32, #tpu.memory_space<vmem>> -> memref<128x256xf32, #tpu.memory_space<vmem>>
        %dma_start3A_92 = arith.constant 0 : i32
        %dma_start3A_93 = tpu.memref_slice %arg2[%mul3A_72, %dma_start3A_92] : memref<100000x256xf32, #tpu.memory_space<hbm>> -> memref<128x256xf32, #tpu.memory_space<hbm>>
        tpu.enqueue_dma source(%dma_start3A_93 : memref<128x256xf32, #tpu.memory_space<hbm>>) target(%dma_start3A_91 : memref<128x256xf32, #tpu.memory_space<vmem>>) target_semaphore(%arg10 : memref<!tpu.dma_semaphore, #tpu.memory_space<semaphore_mem>>)
      } else {
      }
      %lt3A_32 = arith.constant 781 : i32
      %lt3A_33 = arith.cmpi slt, %add3A_17, %lt3A_32 : i32
      %convert_element_type3A_34 = arith.extui %lt3A_33 : i1 to i32
      %cond3A_35 = arith.constant 0 : i32
      %cond3A_36 = arith.cmpi ne, %convert_element_type3A_34, %cond3A_35 : i32
      scf.if %cond3A_36 {
        %mul3A_66 = arith.constant 32 : i32
        %mul3A_67 = arith.muli %mul3A_66, %mul3A_14 : i32
        %add3A_68 = arith.addi %add3A, %mul3A_67 : i32
        %mul3A_69 = arith.constant 128 : i32
        %mul3A_70 = arith.muli %add3A_68, %mul3A_69 : i32
        %dma_wait3A = arith.constant 0 : i32
        %dma_wait3A_71 = arith.constant 0 : i32
        %dma_wait3A_72 = tpu.memref_slice %arg5[%dma_wait3A, %dma_wait3A_71] : memref<2x128xi32, #tpu.memory_space<vmem>> -> memref<1x128xi32, #tpu.memory_space<vmem>>
        %dma_wait3A_73 = tpu.memref_squeeze %dma_wait3A_72 : memref<1x128xi32, #tpu.memory_space<vmem>> -> memref<128xi32, #tpu.memory_space<vmem>>
        %dma_wait3A_74 = tpu.memref_slice %arg3[%mul3A_70] : memref<100000xi32, #tpu.memory_space<hbm>> -> memref<128xi32, #tpu.memory_space<hbm>>
        %dma_wait3A_75 = arith.constant 0 : i32
        %dma_wait3A_76 = tpu.memref_slice %arg5[%dma_wait3A, %dma_wait3A_75] : memref<2x128xi32, #tpu.memory_space<vmem>> -> memref<1x128xi32, #tpu.memory_space<vmem>>
        %dma_wait3A_77 = tpu.memref_squeeze %dma_wait3A_76 : memref<1x128xi32, #tpu.memory_space<vmem>> -> memref<128xi32, #tpu.memory_space<vmem>>
        %dma_wait3A_78 = tpu.memref_slice %arg3[%mul3A_70] : memref<100000xi32, #tpu.memory_space<hbm>> -> memref<128xi32, #tpu.memory_space<hbm>>
        tpu.wait_dma2 semaphore(%arg9 : memref<!tpu.dma_semaphore, #tpu.memory_space<semaphore_mem>>) src(%dma_wait3A_78 : memref<128xi32, #tpu.memory_space<hbm>>) dst(%dma_wait3A_77 : memref<128xi32, #tpu.memory_space<vmem>>)
        %dma_wait3A_79 = arith.constant 0 : i32
        %dma_wait3A_80 = arith.constant 0 : i32
        %dma_wait3A_81 = arith.constant 0 : i32
        %dma_wait3A_82 = tpu.memref_slice %arg6[%dma_wait3A_79, %dma_wait3A_80, %dma_wait3A_81] : memref<2x128x256xf32, #tpu.memory_space<vmem>> -> memref<1x128x256xf32, #tpu.memory_space<vmem>>
        %dma_wait3A_83 = tpu.memref_squeeze %dma_wait3A_82 : memref<1x128x256xf32, #tpu.memory_space<vmem>> -> memref<128x256xf32, #tpu.memory_space<vmem>>
        %dma_wait3A_84 = arith.constant 0 : i32
        %dma_wait3A_85 = tpu.memref_slice %arg2[%mul3A_70, %dma_wait3A_84] : memref<100000x256xf32, #tpu.memory_space<hbm>> -> memref<128x256xf32, #tpu.memory_space<hbm>>
        %dma_wait3A_86 = arith.constant 0 : i32
        %dma_wait3A_87 = arith.constant 0 : i32
        %dma_wait3A_88 = tpu.memref_slice %arg6[%dma_wait3A_79, %dma_wait3A_86, %dma_wait3A_87] : memref<2x128x256xf32, #tpu.memory_space<vmem>> -> memref<1x128x256xf32, #tpu.memory_space<vmem>>
        %dma_wait3A_89 = tpu.memref_squeeze %dma_wait3A_88 : memref<1x128x256xf32, #tpu.memory_space<vmem>> -> memref<128x256xf32, #tpu.memory_space<vmem>>
        %dma_wait3A_90 = arith.constant 0 : i32
        %dma_wait3A_91 = tpu.memref_slice %arg2[%mul3A_70, %dma_wait3A_90] : memref<100000x256xf32, #tpu.memory_space<hbm>> -> memref<128x256xf32, #tpu.memory_space<hbm>>
        tpu.wait_dma2 semaphore(%arg9 : memref<!tpu.dma_semaphore, #tpu.memory_space<semaphore_mem>>) src(%dma_wait3A_91 : memref<128x256xf32, #tpu.memory_space<hbm>>) dst(%dma_wait3A_89 : memref<128x256xf32, #tpu.memory_space<vmem>>)
        %dma_start3A = arith.constant 0 : i32
        %dma_start3A_92 = arith.constant 0 : i32
        %dma_start3A_93 = arith.constant 0 : i32
        %dma_start3A_94 = arith.constant 0 : i32
        %dma_start3A_95 = tpu.memref_slice %arg6[%dma_start3A, %dma_start3A_93, %dma_start3A_94] : memref<2x128x256xf32, #tpu.memory_space<vmem>> -> memref<1x128x256xf32, #tpu.memory_space<vmem>>
        %dma_start3A_96 = tpu.memref_squeeze %dma_start3A_95 : memref<1x128x256xf32, #tpu.memory_space<vmem>> -> memref<128x256xf32, #tpu.memory_space<vmem>>
        %dma_start3A_97 = arith.constant 0 : i32
        %dma_start3A_98 = tpu.memref_slice %arg5[%dma_start3A_92, %dma_start3A_97] : memref<2x128xi32, #tpu.memory_space<vmem>> -> memref<1x128xi32, #tpu.memory_space<vmem>>
        %dma_start3A_99 = tpu.memref_squeeze %dma_start3A_98 : memref<1x128xi32, #tpu.memory_space<vmem>> -> memref<128xi32, #tpu.memory_space<vmem>>
        %dma_start3A_100 = arith.constant 0 : i32
        %dma_start3A_101 = arith.constant 0 : i32
        %dma_start3A_102 = tpu.memref_slice %arg4[%dma_start3A_100, %dma_start3A_101] : memref<108000x256xf32, #tpu.memory_space<hbm>> -> memref<108000x256xf32, #tpu.memory_space<hbm>>
        tpu.enqueue_indirect_dma source(%dma_start3A_96 : memref<128x256xf32, #tpu.memory_space<vmem>>) target(%dma_start3A_102 : memref<108000x256xf32, #tpu.memory_space<hbm>>) offsets(%dma_start3A_99 : memref<128xi32, #tpu.memory_space<vmem>>) semaphore(%arg11 : memref<!tpu.dma_semaphore, #tpu.memory_space<semaphore_mem>>)
      } else {
      }
      %mul3A_37 = arith.constant 2 : i32
      %mul3A_38 = arith.muli %mul3A_37, %scan3A_12 : i32
      %add3A_39 = arith.constant 1 : i32
      %add3A_40 = arith.addi %mul3A_38, %add3A_39 : i32
      %mul3A_41 = arith.constant 32 : i32
      %mul3A_42 = arith.muli %mul3A_41, %add3A_40 : i32
      %add3A_43 = arith.addi %add3A, %mul3A_42 : i32
      %ge3A_44 = arith.constant 1 : i32
      %ge3A_45 = arith.cmpi sge, %add3A_40, %ge3A_44 : i32
      %sub3A_46 = arith.constant 32 : i32
      %sub3A_47 = arith.subi %add3A_43, %sub3A_46 : i32
      %lt3A_48 = arith.constant 781 : i32
      %lt3A_49 = arith.cmpi slt, %sub3A_47, %lt3A_48 : i32
      %and3A_50 = arith.andi %ge3A_45, %lt3A_49 : i1
      %convert_element_type3A_51 = arith.extui %and3A_50 : i1 to i32
      %cond3A_52 = arith.constant 0 : i32
      %cond3A_53 = arith.cmpi ne, %convert_element_type3A_51, %cond3A_52 : i32
      scf.if %cond3A_53 {
        %dma_wait3A = arith.constant 0 : i32
        %dma_wait3A_66 = arith.constant 0 : i32
        %dma_wait3A_67 = arith.constant 0 : i32
        %dma_wait3A_68 = arith.constant 0 : i32
        %dma_wait3A_69 = tpu.memref_slice %arg6[%dma_wait3A, %dma_wait3A_67, %dma_wait3A_68] : memref<2x128x256xf32, #tpu.memory_space<vmem>> -> memref<1x128x256xf32, #tpu.memory_space<vmem>>
        %dma_wait3A_70 = tpu.memref_squeeze %dma_wait3A_69 : memref<1x128x256xf32, #tpu.memory_space<vmem>> -> memref<128x256xf32, #tpu.memory_space<vmem>>
        %dma_wait3A_71 = arith.constant 0 : i32
        %dma_wait3A_72 = tpu.memref_slice %arg5[%dma_wait3A_66, %dma_wait3A_71] : memref<2x128xi32, #tpu.memory_space<vmem>> -> memref<1x128xi32, #tpu.memory_space<vmem>>
        %dma_wait3A_73 = tpu.memref_squeeze %dma_wait3A_72 : memref<1x128xi32, #tpu.memory_space<vmem>> -> memref<128xi32, #tpu.memory_space<vmem>>
        %dma_wait3A_74 = arith.constant 0 : i32
        %dma_wait3A_75 = arith.constant 0 : i32
        %dma_wait3A_76 = tpu.memref_slice %arg4[%dma_wait3A_74, %dma_wait3A_75] : memref<108000x256xf32, #tpu.memory_space<hbm>> -> memref<108000x256xf32, #tpu.memory_space<hbm>>
        tpu.wait_indirect_dma semaphore(%arg11 : memref<!tpu.dma_semaphore, #tpu.memory_space<semaphore_mem>>) src(%dma_wait3A_70 : memref<128x256xf32, #tpu.memory_space<vmem>>) dst(%dma_wait3A_76 : memref<108000x256xf32, #tpu.memory_space<hbm>>)
      } else {
      }
      %add3A_54 = arith.constant 32 : i32
      %add3A_55 = arith.addi %add3A_43, %add3A_54 : i32
      %lt3A_56 = arith.constant 781 : i32
      %lt3A_57 = arith.cmpi slt, %add3A_55, %lt3A_56 : i32
      %convert_element_type3A_58 = arith.extui %lt3A_57 : i1 to i32
      %cond3A_59 = arith.constant 0 : i32
      %cond3A_60 = arith.cmpi ne, %convert_element_type3A_58, %cond3A_59 : i32
      scf.if %cond3A_60 {
        %add3A_66 = arith.constant 1 : i32
        %add3A_67 = arith.addi %add3A_40, %add3A_66 : i32
        %mul3A_68 = arith.constant 32 : i32
        %mul3A_69 = arith.muli %mul3A_68, %add3A_67 : i32
        %add3A_70 = arith.addi %add3A, %mul3A_69 : i32
        %mul3A_71 = arith.constant 128 : i32
        %mul3A_72 = arith.muli %add3A_70, %mul3A_71 : i32
        %dma_start3A = arith.constant 0 : i32
        %dma_start3A_73 = arith.constant 0 : i32
        %dma_start3A_74 = tpu.memref_slice %arg5[%dma_start3A, %dma_start3A_73] : memref<2x128xi32, #tpu.memory_space<vmem>> -> memref<1x128xi32, #tpu.memory_space<vmem>>
        %dma_start3A_75 = tpu.memref_squeeze %dma_start3A_74 : memref<1x128xi32, #tpu.memory_space<vmem>> -> memref<128xi32, #tpu.memory_space<vmem>>
        %dma_start3A_76 = tpu.memref_slice %arg3[%mul3A_72] : memref<100000xi32, #tpu.memory_space<hbm>> -> memref<128xi32, #tpu.memory_space<hbm>>
        %dma_start3A_77 = arith.constant 0 : i32
        %dma_start3A_78 = tpu.memref_slice %arg5[%dma_start3A, %dma_start3A_77] : memref<2x128xi32, #tpu.memory_space<vmem>> -> memref<1x128xi32, #tpu.memory_space<vmem>>
        %dma_start3A_79 = tpu.memref_squeeze %dma_start3A_78 : memref<1x128xi32, #tpu.memory_space<vmem>> -> memref<128xi32, #tpu.memory_space<vmem>>
        %dma_start3A_80 = tpu.memref_slice %arg3[%mul3A_72] : memref<100000xi32, #tpu.memory_space<hbm>> -> memref<128xi32, #tpu.memory_space<hbm>>
        tpu.enqueue_dma source(%dma_start3A_80 : memref<128xi32, #tpu.memory_space<hbm>>) target(%dma_start3A_79 : memref<128xi32, #tpu.memory_space<vmem>>) target_semaphore(%arg9 : memref<!tpu.dma_semaphore, #tpu.memory_space<semaphore_mem>>)
        %dma_start3A_81 = arith.constant 0 : i32
        %dma_start3A_82 = arith.constant 0 : i32
        %dma_start3A_83 = arith.constant 0 : i32
        %dma_start3A_84 = tpu.memref_slice %arg6[%dma_start3A_81, %dma_start3A_82, %dma_start3A_83] : memref<2x128x256xf32, #tpu.memory_space<vmem>> -> memref<1x128x256xf32, #tpu.memory_space<vmem>>
        %dma_start3A_85 = tpu.memref_squeeze %dma_start3A_84 : memref<1x128x256xf32, #tpu.memory_space<vmem>> -> memref<128x256xf32, #tpu.memory_space<vmem>>
        %dma_start3A_86 = arith.constant 0 : i32
        %dma_start3A_87 = tpu.memref_slice %arg2[%mul3A_72, %dma_start3A_86] : memref<100000x256xf32, #tpu.memory_space<hbm>> -> memref<128x256xf32, #tpu.memory_space<hbm>>
        %dma_start3A_88 = arith.constant 0 : i32
        %dma_start3A_89 = arith.constant 0 : i32
        %dma_start3A_90 = tpu.memref_slice %arg6[%dma_start3A_81, %dma_start3A_88, %dma_start3A_89] : memref<2x128x256xf32, #tpu.memory_space<vmem>> -> memref<1x128x256xf32, #tpu.memory_space<vmem>>
        %dma_start3A_91 = tpu.memref_squeeze %dma_start3A_90 : memref<1x128x256xf32, #tpu.memory_space<vmem>> -> memref<128x256xf32, #tpu.memory_space<vmem>>
        %dma_start3A_92 = arith.constant 0 : i32
        %dma_start3A_93 = tpu.memref_slice %arg2[%mul3A_72, %dma_start3A_92] : memref<100000x256xf32, #tpu.memory_space<hbm>> -> memref<128x256xf32, #tpu.memory_space<hbm>>
        tpu.enqueue_dma source(%dma_start3A_93 : memref<128x256xf32, #tpu.memory_space<hbm>>) target(%dma_start3A_91 : memref<128x256xf32, #tpu.memory_space<vmem>>) target_semaphore(%arg9 : memref<!tpu.dma_semaphore, #tpu.memory_space<semaphore_mem>>)
      } else {
      }
      %lt3A_61 = arith.constant 781 : i32
      %lt3A_62 = arith.cmpi slt, %add3A_43, %lt3A_61 : i32
      %convert_element_type3A_63 = arith.extui %lt3A_62 : i1 to i32
      %cond3A_64 = arith.constant 0 : i32
      %cond3A_65 = arith.cmpi ne, %convert_element_type3A_63, %cond3A_64 : i32
      scf.if %cond3A_65 {
        %mul3A_66 = arith.constant 32 : i32
        %mul3A_67 = arith.muli %mul3A_66, %add3A_40 : i32
        %add3A_68 = arith.addi %add3A, %mul3A_67 : i32
        %mul3A_69 = arith.constant 128 : i32
        %mul3A_70 = arith.muli %add3A_68, %mul3A_69 : i32
        %dma_wait3A = arith.constant 1 : i32
        %dma_wait3A_71 = arith.constant 0 : i32
        %dma_wait3A_72 = tpu.memref_slice %arg5[%dma_wait3A, %dma_wait3A_71] : memref<2x128xi32, #tpu.memory_space<vmem>> -> memref<1x128xi32, #tpu.memory_space<vmem>>
        %dma_wait3A_73 = tpu.memref_squeeze %dma_wait3A_72 : memref<1x128xi32, #tpu.memory_space<vmem>> -> memref<128xi32, #tpu.memory_space<vmem>>
        %dma_wait3A_74 = tpu.memref_slice %arg3[%mul3A_70] : memref<100000xi32, #tpu.memory_space<hbm>> -> memref<128xi32, #tpu.memory_space<hbm>>
        %dma_wait3A_75 = arith.constant 0 : i32
        %dma_wait3A_76 = tpu.memref_slice %arg5[%dma_wait3A, %dma_wait3A_75] : memref<2x128xi32, #tpu.memory_space<vmem>> -> memref<1x128xi32, #tpu.memory_space<vmem>>
        %dma_wait3A_77 = tpu.memref_squeeze %dma_wait3A_76 : memref<1x128xi32, #tpu.memory_space<vmem>> -> memref<128xi32, #tpu.memory_space<vmem>>
        %dma_wait3A_78 = tpu.memref_slice %arg3[%mul3A_70] : memref<100000xi32, #tpu.memory_space<hbm>> -> memref<128xi32, #tpu.memory_space<hbm>>
        tpu.wait_dma2 semaphore(%arg10 : memref<!tpu.dma_semaphore, #tpu.memory_space<semaphore_mem>>) src(%dma_wait3A_78 : memref<128xi32, #tpu.memory_space<hbm>>) dst(%dma_wait3A_77 : memref<128xi32, #tpu.memory_space<vmem>>)
        %dma_wait3A_79 = arith.constant 1 : i32
        %dma_wait3A_80 = arith.constant 0 : i32
        %dma_wait3A_81 = arith.constant 0 : i32
        %dma_wait3A_82 = tpu.memref_slice %arg6[%dma_wait3A_79, %dma_wait3A_80, %dma_wait3A_81] : memref<2x128x256xf32, #tpu.memory_space<vmem>> -> memref<1x128x256xf32, #tpu.memory_space<vmem>>
        %dma_wait3A_83 = tpu.memref_squeeze %dma_wait3A_82 : memref<1x128x256xf32, #tpu.memory_space<vmem>> -> memref<128x256xf32, #tpu.memory_space<vmem>>
        %dma_wait3A_84 = arith.constant 0 : i32
        %dma_wait3A_85 = tpu.memref_slice %arg2[%mul3A_70, %dma_wait3A_84] : memref<100000x256xf32, #tpu.memory_space<hbm>> -> memref<128x256xf32, #tpu.memory_space<hbm>>
        %dma_wait3A_86 = arith.constant 0 : i32
        %dma_wait3A_87 = arith.constant 0 : i32
        %dma_wait3A_88 = tpu.memref_slice %arg6[%dma_wait3A_79, %dma_wait3A_86, %dma_wait3A_87] : memref<2x128x256xf32, #tpu.memory_space<vmem>> -> memref<1x128x256xf32, #tpu.memory_space<vmem>>
        %dma_wait3A_89 = tpu.memref_squeeze %dma_wait3A_88 : memref<1x128x256xf32, #tpu.memory_space<vmem>> -> memref<128x256xf32, #tpu.memory_space<vmem>>
        %dma_wait3A_90 = arith.constant 0 : i32
        %dma_wait3A_91 = tpu.memref_slice %arg2[%mul3A_70, %dma_wait3A_90] : memref<100000x256xf32, #tpu.memory_space<hbm>> -> memref<128x256xf32, #tpu.memory_space<hbm>>
        tpu.wait_dma2 semaphore(%arg10 : memref<!tpu.dma_semaphore, #tpu.memory_space<semaphore_mem>>) src(%dma_wait3A_91 : memref<128x256xf32, #tpu.memory_space<hbm>>) dst(%dma_wait3A_89 : memref<128x256xf32, #tpu.memory_space<vmem>>)
        %dma_start3A = arith.constant 1 : i32
        %dma_start3A_92 = arith.constant 1 : i32
        %dma_start3A_93 = arith.constant 0 : i32
        %dma_start3A_94 = arith.constant 0 : i32
        %dma_start3A_95 = tpu.memref_slice %arg6[%dma_start3A, %dma_start3A_93, %dma_start3A_94] : memref<2x128x256xf32, #tpu.memory_space<vmem>> -> memref<1x128x256xf32, #tpu.memory_space<vmem>>
        %dma_start3A_96 = tpu.memref_squeeze %dma_start3A_95 : memref<1x128x256xf32, #tpu.memory_space<vmem>> -> memref<128x256xf32, #tpu.memory_space<vmem>>
        %dma_start3A_97 = arith.constant 0 : i32
        %dma_start3A_98 = tpu.memref_slice %arg5[%dma_start3A_92, %dma_start3A_97] : memref<2x128xi32, #tpu.memory_space<vmem>> -> memref<1x128xi32, #tpu.memory_space<vmem>>
        %dma_start3A_99 = tpu.memref_squeeze %dma_start3A_98 : memref<1x128xi32, #tpu.memory_space<vmem>> -> memref<128xi32, #tpu.memory_space<vmem>>
        %dma_start3A_100 = arith.constant 0 : i32
        %dma_start3A_101 = arith.constant 0 : i32
        %dma_start3A_102 = tpu.memref_slice %arg4[%dma_start3A_100, %dma_start3A_101] : memref<108000x256xf32, #tpu.memory_space<hbm>> -> memref<108000x256xf32, #tpu.memory_space<hbm>>
        tpu.enqueue_indirect_dma source(%dma_start3A_96 : memref<128x256xf32, #tpu.memory_space<vmem>>) target(%dma_start3A_102 : memref<108000x256xf32, #tpu.memory_space<hbm>>) offsets(%dma_start3A_99 : memref<128xi32, #tpu.memory_space<vmem>>) semaphore(%arg12 : memref<!tpu.dma_semaphore, #tpu.memory_space<semaphore_mem>>)
      } else {
      }
    }
    %scan3A_7 = arith.constant 13 : i32
    %eq3A = arith.constant 13 : i32
    %eq3A_8 = arith.cmpi eq, %add3A, %eq3A : i32
    %convert_element_type3A_9 = arith.extui %eq3A_8 : i1 to i32
    %cond3A_10 = arith.constant 0 : i32
    %cond3A_11 = arith.cmpi ne, %convert_element_type3A_9, %cond3A_10 : i32
    scf.if %cond3A_11 {
      "tpu.region"() ({
        %run_scoped3A = tpu.sem_alloc : memref<!tpu.dma_semaphore, #tpu.memory_space<semaphore_mem>>
        %dma_start3A_26 = arith.constant 0 : i32
        %dma_start3A_27 = tpu.memref_slice %arg7[%dma_start3A_26] : memref<32xi32, #tpu.memory_space<vmem>> -> memref<32xi32, #tpu.memory_space<vmem>>
        %dma_start3A_28 = arith.constant 99968 : i32
        %dma_start3A_29 = tpu.memref_slice %arg3[%dma_start3A_28] : memref<100000xi32, #tpu.memory_space<hbm>> -> memref<32xi32, #tpu.memory_space<hbm>>
        %dma_start3A_30 = arith.constant 0 : i32
        %dma_start3A_31 = tpu.memref_slice %arg7[%dma_start3A_30] : memref<32xi32, #tpu.memory_space<vmem>> -> memref<32xi32, #tpu.memory_space<vmem>>
        %dma_start3A_32 = arith.constant 99968 : i32
        %dma_start3A_33 = tpu.memref_slice %arg3[%dma_start3A_32] : memref<100000xi32, #tpu.memory_space<hbm>> -> memref<32xi32, #tpu.memory_space<hbm>>
        tpu.enqueue_dma source(%dma_start3A_33 : memref<32xi32, #tpu.memory_space<hbm>>) target(%dma_start3A_31 : memref<32xi32, #tpu.memory_space<vmem>>) target_semaphore(%run_scoped3A : memref<!tpu.dma_semaphore, #tpu.memory_space<semaphore_mem>>)
        %dma_wait3A_34 = arith.constant 0 : i32
        %dma_wait3A_35 = tpu.memref_slice %arg7[%dma_wait3A_34] : memref<32xi32, #tpu.memory_space<vmem>> -> memref<32xi32, #tpu.memory_space<vmem>>
        %dma_wait3A_36 = arith.constant 99968 : i32
        %dma_wait3A_37 = tpu.memref_slice %arg3[%dma_wait3A_36] : memref<100000xi32, #tpu.memory_space<hbm>> -> memref<32xi32, #tpu.memory_space<hbm>>
        %dma_wait3A_38 = arith.constant 0 : i32
        %dma_wait3A_39 = tpu.memref_slice %arg7[%dma_wait3A_38] : memref<32xi32, #tpu.memory_space<vmem>> -> memref<32xi32, #tpu.memory_space<vmem>>
        %dma_wait3A_40 = arith.constant 99968 : i32
        %dma_wait3A_41 = tpu.memref_slice %arg3[%dma_wait3A_40] : memref<100000xi32, #tpu.memory_space<hbm>> -> memref<32xi32, #tpu.memory_space<hbm>>
        tpu.wait_dma2 semaphore(%run_scoped3A : memref<!tpu.dma_semaphore, #tpu.memory_space<semaphore_mem>>) src(%dma_wait3A_41 : memref<32xi32, #tpu.memory_space<hbm>>) dst(%dma_wait3A_39 : memref<32xi32, #tpu.memory_space<vmem>>)
        tpu.yield
      }) : () -> ()
      "tpu.region"() ({
        %run_scoped3A = tpu.sem_alloc : memref<!tpu.dma_semaphore, #tpu.memory_space<semaphore_mem>>
        %dma_start3A_26 = arith.constant 0 : i32
        %dma_start3A_27 = arith.constant 0 : i32
        %dma_start3A_28 = tpu.memref_slice %arg8[%dma_start3A_26, %dma_start3A_27] : memref<32x256xf32, #tpu.memory_space<vmem>> -> memref<32x256xf32, #tpu.memory_space<vmem>>
        %dma_start3A_29 = arith.constant 99968 : i32
        %dma_start3A_30 = arith.constant 0 : i32
        %dma_start3A_31 = tpu.memref_slice %arg2[%dma_start3A_29, %dma_start3A_30] : memref<100000x256xf32, #tpu.memory_space<hbm>> -> memref<32x256xf32, #tpu.memory_space<hbm>>
        %dma_start3A_32 = arith.constant 0 : i32
        %dma_start3A_33 = arith.constant 0 : i32
        %dma_start3A_34 = tpu.memref_slice %arg8[%dma_start3A_32, %dma_start3A_33] : memref<32x256xf32, #tpu.memory_space<vmem>> -> memref<32x256xf32, #tpu.memory_space<vmem>>
        %dma_start3A_35 = arith.constant 99968 : i32
        %dma_start3A_36 = arith.constant 0 : i32
        %dma_start3A_37 = tpu.memref_slice %arg2[%dma_start3A_35, %dma_start3A_36] : memref<100000x256xf32, #tpu.memory_space<hbm>> -> memref<32x256xf32, #tpu.memory_space<hbm>>
        tpu.enqueue_dma source(%dma_start3A_37 : memref<32x256xf32, #tpu.memory_space<hbm>>) target(%dma_start3A_34 : memref<32x256xf32, #tpu.memory_space<vmem>>) target_semaphore(%run_scoped3A : memref<!tpu.dma_semaphore, #tpu.memory_space<semaphore_mem>>)
        %dma_wait3A_38 = arith.constant 0 : i32
        %dma_wait3A_39 = arith.constant 0 : i32
        %dma_wait3A_40 = tpu.memref_slice %arg8[%dma_wait3A_38, %dma_wait3A_39] : memref<32x256xf32, #tpu.memory_space<vmem>> -> memref<32x256xf32, #tpu.memory_space<vmem>>
        %dma_wait3A_41 = arith.constant 99968 : i32
        %dma_wait3A_42 = arith.constant 0 : i32
        %dma_wait3A_43 = tpu.memref_slice %arg2[%dma_wait3A_41, %dma_wait3A_42] : memref<100000x256xf32, #tpu.memory_space<hbm>> -> memref<32x256xf32, #tpu.memory_space<hbm>>
        %dma_wait3A_44 = arith.constant 0 : i32
        %dma_wait3A_45 = arith.constant 0 : i32
        %dma_wait3A_46 = tpu.memref_slice %arg8[%dma_wait3A_44, %dma_wait3A_45] : memref<32x256xf32, #tpu.memory_space<vmem>> -> memref<32x256xf32, #tpu.memory_space<vmem>>
        %dma_wait3A_47 = arith.constant 99968 : i32
        %dma_wait3A_48 = arith.constant 0 : i32
        %dma_wait3A_49 = tpu.memref_slice %arg2[%dma_wait3A_47, %dma_wait3A_48] : memref<100000x256xf32, #tpu.memory_space<hbm>> -> memref<32x256xf32, #tpu.memory_space<hbm>>
        tpu.wait_dma2 semaphore(%run_scoped3A : memref<!tpu.dma_semaphore, #tpu.memory_space<semaphore_mem>>) src(%dma_wait3A_49 : memref<32x256xf32, #tpu.memory_space<hbm>>) dst(%dma_wait3A_46 : memref<32x256xf32, #tpu.memory_space<vmem>>)
        tpu.yield
      }) : () -> ()
      %dma_start3A = arith.constant 0 : i32
      %dma_start3A_12 = arith.constant 0 : i32
      %dma_start3A_13 = tpu.memref_slice %arg8[%dma_start3A, %dma_start3A_12] : memref<32x256xf32, #tpu.memory_space<vmem>> -> memref<32x256xf32, #tpu.memory_space<vmem>>
      %dma_start3A_14 = arith.constant 0 : i32
      %dma_start3A_15 = tpu.memref_slice %arg7[%dma_start3A_14] : memref<32xi32, #tpu.memory_space<vmem>> -> memref<32xi32, #tpu.memory_space<vmem>>
      %dma_start3A_16 = arith.constant 0 : i32
      %dma_start3A_17 = arith.constant 0 : i32
      %dma_start3A_18 = tpu.memref_slice %arg4[%dma_start3A_16, %dma_start3A_17] : memref<108000x256xf32, #tpu.memory_space<hbm>> -> memref<108000x256xf32, #tpu.memory_space<hbm>>
      tpu.enqueue_indirect_dma source(%dma_start3A_13 : memref<32x256xf32, #tpu.memory_space<vmem>>) target(%dma_start3A_18 : memref<108000x256xf32, #tpu.memory_space<hbm>>) offsets(%dma_start3A_15 : memref<32xi32, #tpu.memory_space<vmem>>) semaphore(%arg13 : memref<!tpu.dma_semaphore, #tpu.memory_space<semaphore_mem>>)
      %dma_wait3A = arith.constant 0 : i32
      %dma_wait3A_19 = arith.constant 0 : i32
      %dma_wait3A_20 = tpu.memref_slice %arg8[%dma_wait3A, %dma_wait3A_19] : memref<32x256xf32, #tpu.memory_space<vmem>> -> memref<32x256xf32, #tpu.memory_space<vmem>>
      %dma_wait3A_21 = arith.constant 0 : i32
      %dma_wait3A_22 = tpu.memref_slice %arg7[%dma_wait3A_21] : memref<32xi32, #tpu.memory_space<vmem>> -> memref<32xi32, #tpu.memory_space<vmem>>
      %dma_wait3A_23 = arith.constant 0 : i32
      %dma_wait3A_24 = arith.constant 0 : i32
      %dma_wait3A_25 = tpu.memref_slice %arg4[%dma_wait3A_23, %dma_wait3A_24] : memref<108000x256xf32, #tpu.memory_space<hbm>> -> memref<108000x256xf32, #tpu.memory_space<hbm>>
      tpu.wait_indirect_dma semaphore(%arg13 : memref<!tpu.dma_semaphore, #tpu.memory_space<semaphore_mem>>) src(%dma_wait3A_20 : memref<32x256xf32, #tpu.memory_space<vmem>>) dst(%dma_wait3A_25 : memref<108000x256xf32, #tpu.memory_space<hbm>>)
    } else {
    }
    return
  }
}

module attributes {stable_mosaic.version = 14 : i64} {
  func.func @_mlp_body(%arg0: i32, %arg1: memref<27xi32, #tpu.memory_space<smem>>, %arg2: memref<4000x256xf32, #tpu.memory_space<vmem>>, %arg3: memref<1x512x256xbf16, #tpu.memory_space<vmem>>, %arg4: memref<1x1x512xf32, #tpu.memory_space<vmem>>, %arg5: memref<1x1x512xbf16, #tpu.memory_space<vmem>>, %arg6: memref<1x1x1xf32, #tpu.memory_space<vmem>>, %arg7: memref<1x1x4000xf32, #tpu.memory_space<vmem>>) attributes {dimension_semantics = [#tpu.dimension_semantics<arbitrary>], iteration_bounds = array<i64: 27>, scalar_prefetch = 1 : i64, scratch_operands = 0 : i64, tpu.core_type = #tpu.core_type<tc>, window_params = [{transform_indices = @transform_0, window_bounds = array<i64: 4000, 256>}, {transform_indices = @transform_1, window_bounds = array<i64: 1, 512, 256>}, {transform_indices = @transform_2, window_bounds = array<i64: 1, 1, 512>}, {transform_indices = @transform_3, window_bounds = array<i64: 1, 1, 512>}, {transform_indices = @transform_4, window_bounds = array<i64: 1, 1, 1>}, {transform_indices = @transform_5, window_bounds = array<i64: 1, 1, 4000>}]} {
    %get3A = arith.constant 0 : index
    %get3A_0 = arith.constant 0 : index
    %get3A_1 = vector.load %arg2[%get3A, %get3A_0] : memref<4000x256xf32, #tpu.memory_space<vmem>>, vector<4000x256xf32>
    %convert_element_type3A = arith.truncf %get3A_1 : vector<4000x256xf32> to vector<4000x256xbf16>
    %get3A_2 = arith.constant 0 : index
    %get3A_3 = arith.constant 0 : index
    %get3A_4 = arith.constant 0 : index
    %get3A_5 = vector.load %arg3[%get3A_2, %get3A_3, %get3A_4] : memref<1x512x256xbf16, #tpu.memory_space<vmem>>, vector<1x512x256xbf16>
    %get3A_6 = vector.shape_cast %get3A_5 : vector<1x512x256xbf16> to vector<512x256xbf16>
    %dot_general3A = arith.constant dense<0.000000e+00> : vector<512x4000xf32>
    %dot_general3A_7 = tpu.matmul %get3A_6, %convert_element_type3A, %dot_general3A {dimension_numbers = #tpu.dot_dimension_numbers<[1], [1], [0], [0], [0, 0, 1, 0], [], []>, transpose_lhs_hint = false} : vector<512x256xbf16>, vector<4000x256xbf16>, vector<512x4000xf32> -> vector<512x4000xf32>
    %get3A_8 = arith.constant 0 : index
    %get3A_9 = arith.constant 0 : index
    %get3A_10 = arith.constant 0 : index
    %get3A_11 = vector.load %arg4[%get3A_8, %get3A_9, %get3A_10] : memref<1x1x512xf32, #tpu.memory_space<vmem>>, vector<1x1x512xf32>
    %get3A_12 = vector.shape_cast %get3A_11 : vector<1x1x512xf32> to vector<512xf32>
    %broadcast_in_dim3A = vector.shape_cast %get3A_12 : vector<512xf32> to vector<512x1xf32>
    %add3A = vector.broadcast %broadcast_in_dim3A : vector<512x1xf32> to vector<512x4000xf32>
    %add3A_13 = arith.addf %dot_general3A_7, %add3A : vector<512x4000xf32>
    %max3A = arith.constant 0.000000e+00 : f32
    %max3A_14 = vector.broadcast %max3A : f32 to vector<512x4000xf32>
    %max3A_15 = arith.maximumf %add3A_13, %max3A_14 : vector<512x4000xf32>
    %convert_element_type3A_16 = arith.truncf %max3A_15 : vector<512x4000xf32> to vector<512x4000xbf16>
    %get3A_17 = arith.constant 0 : index
    %get3A_18 = arith.constant 0 : index
    %get3A_19 = arith.constant 0 : index
    %get3A_20 = vector.load %arg5[%get3A_17, %get3A_18, %get3A_19] : memref<1x1x512xbf16, #tpu.memory_space<vmem>>, vector<1x1x512xbf16>
    %get3A_21 = vector.shape_cast %get3A_20 : vector<1x1x512xbf16> to vector<512xbf16>
    %broadcast_in_dim3A_22 = vector.shape_cast %get3A_21 : vector<512xbf16> to vector<1x512xbf16>
    %dot_general3A_23 = arith.constant dense<0.000000e+00> : vector<1x4000xf32>
    %dot_general3A_24 = tpu.matmul %broadcast_in_dim3A_22, %convert_element_type3A_16, %dot_general3A_23 {dimension_numbers = #tpu.dot_dimension_numbers<[1], [0], [0], [1], [0, 0, 1, 1], [], []>, transpose_lhs_hint = false} : vector<1x512xbf16>, vector<512x4000xbf16>, vector<1x4000xf32> -> vector<1x4000xf32>
    %get3A_25 = arith.constant 0 : index
    %get3A_26 = arith.constant 0 : index
    %get3A_27 = arith.constant 0 : index
    %get3A_28 = vector.load %arg6[%get3A_25, %get3A_26, %get3A_27] : memref<1x1x1xf32, #tpu.memory_space<vmem>>, vector<1x1x1xf32>
    %get3A_29 = vector.extract %get3A_28[0, 0, 0] : f32 from vector<1x1x1xf32>
    %add3A_30 = vector.broadcast %get3A_29 : f32 to vector<1x4000xf32>
    %add3A_31 = arith.addf %dot_general3A_24, %add3A_30 : vector<1x4000xf32>
    %swap3A = arith.constant 0 : index
    %swap3A_32 = arith.constant 0 : index
    %swap3A_33 = arith.constant 0 : index
    %swap3A_34 = vector.load %arg7[%swap3A, %swap3A_32, %swap3A_33] : memref<1x1x4000xf32, #tpu.memory_space<vmem>>, vector<1x1x4000xf32>
    %swap3A_35 = vector.shape_cast %swap3A_34 : vector<1x1x4000xf32> to vector<1x4000xf32>
    %swap3A_36 = vector.shape_cast %add3A_31 : vector<1x4000xf32> to vector<1x1x4000xf32>
    tpu.vector_store %arg7[%swap3A, %swap3A_32, %swap3A_33], %swap3A_36 {strides = array<i32>} : memref<1x1x4000xf32, #tpu.memory_space<vmem>>, vector<1x1x4000xf32>,
    return
  }
  func.func @transform_0(%arg0: i32, %arg1: memref<27xi32, #tpu.memory_space<smem>>) -> (i32, i32) {
    %c0_i32 = arith.constant 0 : i32
    %c0_i32_0 = arith.constant 0 : i32
    return %arg0, %c0_i32 : i32, i32
  }
  func.func @transform_1(%arg0: i32, %arg1: memref<27xi32, #tpu.memory_space<smem>>) -> (i32, i32, i32) {
    %get3A = arith.index_cast %arg0 : i32 to index
    %get3A_0 = memref.load %arg1[%get3A] : memref<27xi32, #tpu.memory_space<smem>>
    %c0_i32 = arith.constant 0 : i32
    %c0_i32_1 = arith.constant 0 : i32
    %c0_i32_2 = arith.constant 0 : i32
    return %get3A_0, %c0_i32, %c0_i32_1 : i32, i32, i32
  }
  func.func @transform_2(%arg0: i32, %arg1: memref<27xi32, #tpu.memory_space<smem>>) -> (i32, i32, i32) {
    %get3A = arith.index_cast %arg0 : i32 to index
    %get3A_0 = memref.load %arg1[%get3A] : memref<27xi32, #tpu.memory_space<smem>>
    %c0_i32 = arith.constant 0 : i32
    %c0_i32_1 = arith.constant 0 : i32
    %c0_i32_2 = arith.constant 0 : i32
    return %get3A_0, %c0_i32, %c0_i32_1 : i32, i32, i32
  }
  func.func @transform_3(%arg0: i32, %arg1: memref<27xi32, #tpu.memory_space<smem>>) -> (i32, i32, i32) {
    %get3A = arith.index_cast %arg0 : i32 to index
    %get3A_0 = memref.load %arg1[%get3A] : memref<27xi32, #tpu.memory_space<smem>>
    %c0_i32 = arith.constant 0 : i32
    %c0_i32_1 = arith.constant 0 : i32
    %c0_i32_2 = arith.constant 0 : i32
    return %get3A_0, %c0_i32, %c0_i32_1 : i32, i32, i32
  }
  func.func @transform_4(%arg0: i32, %arg1: memref<27xi32, #tpu.memory_space<smem>>) -> (i32, i32, i32) {
    %get3A = arith.index_cast %arg0 : i32 to index
    %get3A_0 = memref.load %arg1[%get3A] : memref<27xi32, #tpu.memory_space<smem>>
    %c0_i32 = arith.constant 0 : i32
    %c0_i32_1 = arith.constant 0 : i32
    %c0_i32_2 = arith.constant 0 : i32
    return %get3A_0, %c0_i32, %c0_i32_1 : i32, i32, i32
  }
  func.func @transform_5(%arg0: i32, %arg1: memref<27xi32, #tpu.memory_space<smem>>) -> (i32, i32, i32) {
    %c0_i32 = arith.constant 0 : i32
    %c0_i32_0 = arith.constant 0 : i32
    %c0_i32_1 = arith.constant 0 : i32
    return %arg0, %c0_i32, %c0_i32_0 : i32, i32, i32
  }
}

</mosaic_0001>

<sc_bundles>
// kernel: kernel.5.cloned.1.call-start
scs
__scs_entry_jumppad:
0x0: {  	(pc) =	sbr.rel $0x88, $3  }
0x1: {  	(tag) =	ssettag $0x0;
	lr =	simm.s32 $0x1  }
0x2: {  	[smem:$0x3F93] =	sst lr;
	_ =	strace $0xD0000000  }
0x3: {  	_ = 	snop  }
0x4: {  	_ = 	snop  }
0x5: {  	_ = 	snop  }
0x6: {  	_ = 	snop  }
0x7: {  	_ = 	snop  }
__scs_overlays_trampoline_lowered:
0x8: {  	[smem:$0x3FA2] =	sst s0  }
0x9: {  	[smem:$0x3FA3] =	sst s1  }
0xa: {  	[smem:$0x3FA4] =	sst s2  }
0xb: {  	[smem:$0x3FA5] =	sst s3  }
0xc: {  	[smem:$0x3FA6] =	sst s4  }
0xd: {  	[smem:$0x3FA7] =	sst s5  }
0xe: {  	[smem:$0x3FA8] =	sst s6  }
0xf: {  	[smem:$0x3FA9] =	sst s7  }
0x10: {  	[smem:$0x3FAA] =	sst s8  }
0x11: {  	[smem:$0x3FAB] =	sst s9;
	s0 =	simm.s32 @!p0 $0x0  }
0x12: {  	s1 =	sld [smem:$0x3F91];
	s0 =	simm.s32 @p0 $0x1  }
0x13: {  	[smem:$0x3FAC] =	sst s0;
	s0 =	simm.s32 @!p1 $0x0  }
0x14: {  	s2 =	sld [smem:$0x3F90];
	s0 =	simm.s32 @p1 $0x1  }
0x15: {  	[smem:$0x3FAD] =	sst s0;
	s0 =	simm.s32 @!p2 $0x0  }
0x16: {  	s3 =	sld [smem:$0x3FDB];
	s0 =	simm.s32 @p2 $0x1  }
0x17: {  	s4 =	simm.s32 $0x1BF5;
	[smem:$0x3FAF] =	sst s0  }
0x18: {  	s0 =	sld [smem:$0x3F92];
	_ =	swait.ge [sflag:s4], $0x0  }
0x19: {  	s7 =	sld [smem:$0x3F93]  }
0x1a: {  	s8 =	sadd.s32 $0xFFFFE003, lr  }
0x1b: {  	s9 =	sadd.s32 $0xFFFFFEF7, lr;
	s5 =	simm.s32 $0xFFFFFFFF;
	p2 =	slt.u32 s8, $0xFFFFF086  }
0x1c: {  	p1 =	slt.u32 s9, $0xF7A;
	s5 =	simm.s32 @!p2 $0x0  }
0x1d: {  	s5 =	simm.s32 @p1 $0x1;
	p0 =	seq.s32 s7, s2  }
0x1e: {  	s7 =	smul.u32 @!p0 $0xF7A, s2;
	p2 =	seq.s32 @!p0 s5, $0x0  }
0x1f: {  	s9 =	smul.u32 $0xF7A, s1;
	s8 =	simm.s32 @!p0 $0x1BF5;
	p2 =	por !p2, p0  }
0x20: {  	[sflag:s8] =	ssyncset.s32 @!p0 $0xFFFFF086;
	s6 =	sadd.s32 @!p0 s3, s7;
	s7 =	simm.s32 @!p0 $0x108  }
0x21: {  	s3 =	sadd.s32 s3, s9;
	s6 =	sadd.s32 @!p0 $0x88, s6;
	s7 =	simm.s32 @p2 $0x1082  }
0x22: {  	[simem:s7], [sflag:s8] =	dma.local @!p0 [hbm:s6], $0xF7A  }
0x23: {  	s9 =	sor.u32 $0xD0000000, s2;
	s6 =	simm.s32 $0x108;
	_ =	swait.ge @!p0 [sflag:s8], $0x0  }
0x24: {  	s3 =	sadd.s32 $0x88, s3;
	s6 =	simm.s32 @!p1 $0x1082;
	[sflag:s4] =	ssyncset.s32 $0xFFFFF086  }
0x25: {  	[simem:s6], [sflag:s4] =	dma.local [hbm:s3], $0xF7A  }
0x26: {  	[smem:$0x3F93] =	sst s1;
	(tag) =	ssettag s2;
	_ =	strace s9  }
0x27: {  	s1 =	sld [smem:$0x3FA3]  }
0x28: {  	s2 =	sld [smem:$0x3FA4]  }
0x29: {  	s4 =	sld [smem:$0x3FA6]  }
0x2a: {  	p0 =	seq.s32 s5, $0x0;
	s5 =	sld [smem:$0x3FA7]  }
0x2b: {  	s6 =	sld [smem:$0x3FA8]  }
0x2c: {  	s7 =	sld [smem:$0x3FA9]  }
0x2d: {  	s3 =	simm.s32 $0x108;
	s8 =	sld [smem:$0x3FAA]  }
0x2e: {  	s3 =	simm.s32 @!p0 $0x1082;
	s9 =	sld [smem:$0x3FAB]  }
0x2f: {  	lr =	sadd.s32 s0, s3;
	s0 =	sld [smem:$0x3FA2]  }
0x30: {  	s3 =	sld [smem:$0x3FA5]  }
0x31: {  	[smem:$0x3FAE] =	sst s10  }
0x32: {  	s10 =	sld [smem:$0x3FAC];
	_ =	sdelay $0x3  }
0x33: {  	p0 =	seq.s32 s10, $0x1;
	s10 =	sld [smem:$0x3FAE];
	_ =	sdelay $0x3  }
0x34: {  	[smem:$0x3FAE] =	sst s10  }
0x35: {  	s10 =	sld [smem:$0x3FAD];
	_ =	sdelay $0x3  }
0x36: {  	p1 =	seq.s32 s10, $0x1;
	s10 =	sld [smem:$0x3FAE];
	_ =	sdelay $0x3  }
0x37: {  	[smem:$0x3FAE] =	sst s10  }
0x38: {  	s10 =	sld [smem:$0x3FAF]  }
0x39: {  	_ = 	snop;
	(pc) =	sbr.ind lr, $3  }
0x3a: {  	_ = 	snop  }
0x3b: {  	_ = 	snop  }
0x3c: {  	p2 =	seq.s32 s10, $0x1;
	s10 =	sld [smem:$0x3FAE]  }
0x3d: {  	_ =	shalt  }
0x3e: {  	_ =	shalt  }
0x3f: {  	_ =	shalt  }
0x40: {  	_ =	shalt  }
0x41: {  	_ =	shalt  }
0x42: {  	_ =	shalt  }
0x43: {  	_ =	shalt  }
0x44: {  	_ =	shalt  }
0x45: {  	_ =	shalt  }
0x46: {  	_ =	shalt  }
0x47: {  	_ =	shalt  }
0x48: {  	_ =	shalt  }
0x49: {  	_ =	shalt  }
0x4a: {  	_ =	shalt  }
0x4b: {  	_ =	shalt  }
0x4c: {  	_ =	shalt  }
0x4d: {  	_ =	shalt  }
0x4e: {  	_ =	shalt  }
0x4f: {  	_ =	shalt  }
0x50: {  	_ =	shalt  }
0x51: {  	_ =	shalt  }
0x52: {  	_ =	shalt  }
0x53: {  	_ =	shalt  }
0x54: {  	_ =	shalt  }
0x55: {  	_ =	shalt  }
0x56: {  	_ =	shalt  }
0x57: {  	_ =	shalt  }
0x58: {  	_ =	shalt  }
0x59: {  	_ =	shalt  }
0x5a: {  	_ =	shalt  }
0x5b: {  	_ =	shalt  }
0x5c: {  	_ =	shalt  }
0x5d: {  	_ =	shalt  }
0x5e: {  	_ =	shalt  }
0x5f: {  	_ =	shalt  }
0x60: {  	_ =	shalt  }
0x61: {  	_ =	shalt  }
0x62: {  	_ =	shalt  }
0x63: {  	_ =	shalt  }
0x64: {  	_ =	shalt  }
0x65: {  	_ =	shalt  }
0x66: {  	_ =	shalt  }
0x67: {  	_ =	shalt  }
0x68: {  	_ =	shalt  }
0x69: {  	_ =	shalt  }
0x6a: {  	_ =	shalt  }
0x6b: {  	_ =	shalt  }
0x6c: {  	_ =	shalt  }
0x6d: {  	_ =	shalt  }
0x6e: {  	_ =	shalt  }
0x6f: {  	_ =	shalt  }
0x70: {  	_ =	shalt  }
0x71: {  	_ =	shalt  }
0x72: {  	_ =	shalt  }
0x73: {  	_ =	shalt  }
0x74: {  	_ =	shalt  }
0x75: {  	_ =	shalt  }
0x76: {  	_ =	shalt  }
0x77: {  	_ =	shalt  }
0x78: {  	_ =	shalt  }
0x79: {  	_ =	shalt  }
0x7a: {  	_ =	shalt  }
0x7b: {  	_ =	shalt  }
0x7c: {  	_ =	shalt  }
0x7d: {  	_ =	shalt  }
0x7e: {  	_ =	shalt  }
0x7f: {  	_ =	shalt  }
0x80: {  	_ =	shalt  }
0x81: {  	_ =	shalt  }
0x82: {  	_ =	shalt  }
0x83: {  	_ =	shalt  }
0x84: {  	_ =	shalt  }
0x85: {  	_ =	shalt  }
0x86: {  	_ =	shalt  }
0x87: {  	_ =	shalt  }
.Lfunc_end0:
.L_simem_size_0:
called_computation_lowered:
.L_overlay_start_0:
0x88: {  	s2 =	sld [smem:$0x3FD9]  }
0x89: {  	s3 =	sld [smem:$0x3FFE];
	_ =	sdelay $0x1  }
0x8a: {  	s1 =	srdreg.scid  }
0x8b: {  	s0 =	sand.u32 $0x1, s1  }
0x8c: {  	s17 =	sshll.u32 s0, $0xA;
	s2 =	sadd.s32 s3, s2  }
0x8d: {  	s2 =	sadd.s32 s2, s17  }
0x8e: {  	[smem:$0x3FBA] =	sst s2  }
0x8f: {  	_ = 	snop  }
0x90: {  	s2 =	sld [smem:$0x3FC9];
	(tm) =	ssettm $0x1  }
0x91: {  	s18 =	sld [smem:$0x3FFB];
	_ =	sdelay $0x3  }
0x92: {  	_ =	strace s18  }
0x93: {  	s3 =	sld [smem:$0x3FFC];
	_ =	sdelay $0x3  }
0x94: {  	_ =	strace s3  }
0x95: {  	s3 =	sld [smem:$0x3FFD];
	_ =	sdelay $0x3  }
0x96: {  	_ =	strace s3  }
0x97: {  	_ =	strace $0x8FFFFFFF  }
0x98: {  	s19 =	sld [smem:$0x3FDB];
	_ =	sdelay $0x1  }
0x99: {  	s4 =	simm.s32 $_scs_section_size  }
0x9a: {  	s5 =	simm.s32 $_size__tile_overlayer_lowered;
	s6 =	simm.s32 $_tile_overlayer_lowered  }
0x9b: {  	s22 =	simm.s32 $0x1BFF;
	s21 =	sshll.u32 s6, $0x1;
	s3 =	sadd.s32 s4, s19  }
0x9c: {  	s7 =	simm.s32 $0x0;
	s20 =	sshll.u32 s5, $0x1;
	s5 =	sadd.s32 s21, s3  }
0x9d: {  	[timem:s7], [sflag:s22] =	dma.local [hbm:s5], s20  }
0x9e: {  	_ =	swait.ge [sflag:s22], s20  }
0x9f: {  	s4 =	ssub.s32 $0x0, s20;
	[sflag:s22] =	ssyncset.done $0x0  }
0xa0: {  	[sflag:s22] =	ssyncadd.s32 s4;
	_ =	sdelay $0x1  }
0xa1: {  	s23 =	simm.s32 $0x1B8B  }
0xa2: {  	_ =	swait.ge [sflag:s23], $0x1  }
0xa3: {  	[sflag:s23] =	ssyncset.done $0x0  }
0xa4: {  	s25 =	simm.s32 $0x1B8E;
	s24 =	sld [smem:$0x3FFE];
	[sflag:s23] =	ssyncadd.s32 $0xFFFFFFFF  }
0xa5: {  	s26 =	simm.s32 $execute0_lowered;
	[smem:$0x3FD2] =	sst s25  }
0xa6: {  	s5 =	sshll.u32 s26, $0x1;
	_ =	strace $0x80000046;
	[dreg:$0x1] =	wrdreg $0xFFFFFFFF  }
0xa7: {  	s28 =	simm.s32 $_size_execute0_lowered;
	s3 =	sadd.s32 s3, s5;
	[dreg:$0x0] =	wrdreg $0x0  }
0xa8: {  	s5 =	sshll.u32 s28, $0x1;
	[dreg:$0x2] =	wrdreg s3  }
0xa9: {  	[dreg:$0x3] =	wrdreg s5  }
0xaa: {  	[dreg:$0x4] =	wrdreg $0xC0  }
0xab: {  	_ =	task [dreg:s7], $0x5FFFF  }
0xac: {  	[dreg:$0x1] =	wrdreg $0xFFFFFFFF  }
0xad: {  	[dreg:$0x0] =	wrdreg $0x60  }
0xae: {  	[dreg:$0x2] =	wrdreg s2  }
0xaf: {  	[dreg:$0x3] =	wrdreg s24  }
0xb0: {  	[dreg:$0x4] =	wrdreg $0x9  }
0xb1: {  	_ =	task.clear_ibuf [dreg:s7], $0x5FFFF;
	_ =	strace $0x90000046  }
0xb2: {  	s29 =	simm.s32 $0x9;
	_ =	strace $0x80000048  }
0xb3: {  	_ =	swait.ge [sflag:s29], $0x1  }
0xb4: {  	[sflag:s29] =	ssyncadd.s32 $0xFFFFFFFF  }
0xb5: {  	_ =	strace $0x90000048  }
0xb6: {  	_ =	sfence  }
0xb7: {  	s30 =	sld [smem:$0x0];
	_ =	sdelay $0x2  }
0xb8: {  	s31 =	sshll.u32 s1, $0xD;
	s1 =	sshrl.u32 s1, $0x2  }
0xb9: {  	s3 =	sand.u32 $0x4000, s31;
	s1 =	sadd.s32 s1, s30  }
0xba: {  	s0 =	sor.u32 s3, s0;
	s1 =	sshll.u32 s1, $0x11  }
0xbb: {  	s0 =	sor.u32 s1, s0  }
0xbc: {  	s0 =	sadd.s32 $0x8F2B, s0  }
0xbd: {  	[sflag:s0] =	ssyncadd.remote.s32 $0x1  }
0xbe: {  	_ =	sfence.sel $0xFFFF  }
0xbf: {  	[dreg:$0x0] =	wrdreg $0xFFFFFFFF;
	(pc) =	sbr.abs _section_cstart, $3  }
0xc0: {  	[dreg:$0x1] =	wrdreg $0xFFFFFFFF  }
0xc1: {  	_ =	task.clear_ibuf [dreg:s7], $0x2FFFF;
	_ =	strace $0x9FFFFFFF  }
0xc2: {  	(tm) =	ssettm $0x7FFFFFFF  }
0xc3: {  	_ =	shalt  }
tec
execute0_lowered:
.L_overlay_start_1:
0x0: {  	(tag) =	ssettag $0x1  }
0x1: {  	s0 =	rddreg [dreg:$0x0]  }
0x2: {  	s1 =	rddreg [dreg:$0x1];
	s2 =	simm.s32 $0x0  }
0x3: {  	s3 =	srdreg.scid;
	s10 =	stileid.u32;
	s12 =	simm.s32 $0x100  }
0x4: {  	s13 =	simm.s32 $0x80;
	s14 =	simm.s32 $0x8100;
	s15 =	simm.s32 $0x1  }
0x5: {  	s16 =	simm.s32 $0x900;
	s17 =	simm.s32 $0x1100;
	s28 =	simm.s32 $0x6100  }
0x6: {  	s29 =	simm.s32 $0x6900;
	s30 =	simm.s32 $0x7100;
	s31 =	simm.s32 $0x7900  }
0x7: {  	[smem:$0x7FF] =	sst s2;
	s4 =	sand.u32 $0x1, s3;
	s5 =	sshll.u32 s10, $0x1  }
0x8: {  	s3 =	sadd.s32 $0x3200, s1;
	s20 =	sadd.s32 $0x30D0, s1;
	s21 =	sadd.s32 $0x30D000, s0  }
0x9: {  	s22 =	sshll.u32 s10, $0x5;
	s23 =	sshll.u32 s10, $0xD;
	_ =	strace $0x80000047  }
0xa: {  	s6 =	ssub.s32 $0x2, s4;
	s5 =	sor.u32 s4, s5;
	[dreg:$0x5] =	wrdreg s20  }
0xb: {  	[dreg:$0x6] =	wrdreg s21;
	s24 =	sshll.u32 s4, $0x4;
	s4 =	sshll.u32 s4, $0xC  }
0xc: {  	s20 =	simm.s32 $0x2900;
	s21 =	simm.s32 $0x3100;
	s7 =	sshrl.u32 s6, $0x1  }
0xd: {  	s8 =	sshll.u32 s5, $0x4;
	s9 =	sshll.u32 s5, $0xC;
	s26 =	sor.u32 $0x20, s5  }
0xe: {  	p0 =	sne.s32 s5, $0xD;
	s5 =	simm.s32 $0x0;
	s6 =	ssub.s32 s6, s7  }
0xf: {  	s18 =	sadd.s32 s1, s8;
	s19 =	sadd.s32 s0, s9;
	s1 =	sadd.s32 s22, s1  }
0x10: {  	s0 =	sadd.s32 s23, s0;
	[dreg:$0x9] =	wrdreg s26;
	s22 =	simm.s32 $0x3900  }
0x11: {  	s23 =	simm.s32 $0x4100;
	s26 =	simm.s32 $0x5900;
	[dreg:$0x3] =	wrdreg s18  }
.Ltmp0:
0x12: {  	[dreg:$0x4] =	wrdreg s19;
	s1 =	sadd.s32 s24, s1;
	(pc) =	sbr.rel .LBB2_1-.Ltmp0, $4  }
0x13: {  	s6 =	smax.u32 s6, $0x1;
	s9 =	sadd.s32 s4, s0;
	s18 =	simm.s32 $0x1900  }
0x14: {  	v2 =	vlaneseq.u32;
	s19 =	simm.s32 $0x2100;
	s24 =	simm.s32 $0x4900;
	s0 =	simm.s32 $0x3  }
0x15: {  	vm0 =	vmmov $0xffff;
	v1 =	vshrl.u32 v2, $0x3;
	v0 =	vand.u32 $0x7, v2;
	s4 =	simm.s32 $0xF900;
	[dreg:$0x7] =	wrdreg s6;
	s25 =	sadd.s32 $0x400, s1  }
0x16: {  	v2 =	vor.u32 $0x8, v2;
	v1 =	vmul.u32 $0x8, v1;
	vm1 =	vmmov @!p0 $0xffff;
	s1 =	simm.s32 $0x2;
	[dreg:$0x8] =	wrdreg s25;
	s25 =	simm.s32 $0x5100  }
.LBB2_12:
0x17: {  	s6 =	simm.s32 @!p0 $0x0;
	s7 =	simm.s32 @!p0 $0x10100;
	s8 =	rddreg [dreg:$0x5]  }
0x18: {  	[tilespmem:s7], [sflag:$0x6] =	stream.linear.gather @!p0 [hbm4b:s8+s6], $0x20, $0x38;
	[tilespmem:$0x12180] =	vst v63  }
0x19: {  	s7 =	simm.s32 @!p0 $0x6  }
0x1a: {  	_ =	swait.ge @!p0 [sflag:s7], $0x20  }
0x1b: {  	[sflag:s7] =	ssyncset.done @!p0 $0x0  }
0x1c: {  	s8 =	simm.s32 @!p0 $0x10180;
	s10 =	rddreg [dreg:$0x6];
	[sflag:s7] =	ssyncadd.s32 @!p0 $0xFFFFFFE0  }
0x1d: {  	[tilespmem:s8], [sflag:$0x6] =	stream.linear.gather @!p0 [hbm4b:s10+s6], $0x2000, $0x38;
	[tilespmem:$0x12180] =	vst v63  }
0x1e: {  	_ =	swait.ge @!p0 [sflag:s7], $0x2000  }
0x1f: {  	[sflag:s7] =	ssyncset.done @!p0 $0x0  }
0x20: {  	[sflag:s7] =	ssyncadd.s32 @!p0 $0xFFFFE000  }
0x21: {  	v3 =	vld @!p0 [tilespmem:$0x10100];
	_ =	sdelay $0x4  }
0x22: {  	v4 =	vshll.u32 @!p0 v3, $0x1  }
0x23: {  	v5 =	vlaneseq.u32 @!p0;
	v3 =	vand.u32 @!p0 $0x7, v3;
	v4 =	vand.u32 @!p0 $0xFFFFFFF0, v4  }
0x24: {  	v6 =	vshrl.u32 @!p0 v5, $0x3;
	v3 =	vor.u32 @!p0 v3, v4;
	v4 =	vand.u32 @!p0 $0x7, v5  }
0x25: {  	v6 =	vmul.u32 @!p0 $0x8, v6;
	v7 =	vperm.xlane @!p0 v3, v4  }
0x26: {  	v5 =	vor.u32 @!p0 $0x8, v5  }
0x27: {  	v3 =	vperm.xlane @!p0 v3, v5;
	v7 =	vadd.s32 @!p0 v6, v7;
	_ =	sdelay $0x1  }
0x28: {  	v3 =	vadd.s32 @!p0 v6, v3;
	_ =	sdelay $0x2  }
0x29: {  	[hbm4b:s3+s6] =	stream.indirect_vreg.scatter @!p0 [tilespmem:s8], [sflag:$0x5], $0x80, v7, vm1, $0xb8;
	[tilespmem:$0x12180] =	vst v63  }
0x2a: {  	s7 =	simm.s32 @!p0 $0x10980  }
0x2b: {  	[hbm4b:s3+s6] =	stream.indirect_vreg.scatter @!p0 [tilespmem:s7], [sflag:$0x5], $0x80, v3, vm1, $0xb8;
	[tilespmem:$0x12180] =	vst v63  }
0x2c: {  	v3 =	vld @!p0 [tilespmem:$0x10110];
	_ =	sdelay $0x4  }
0x2d: {  	v7 =	vshll.u32 @!p0 v3, $0x1  }
0x2e: {  	v3 =	vand.u32 @!p0 $0x7, v3;
	v7 =	vand.u32 @!p0 $0xFFFFFFF0, v7  }
0x2f: {  	v3 =	vor.u32 @!p0 v3, v7  }
0x30: {  	v4 =	vperm.xlane @!p0 v3, v4;
	_ =	sdelay $0x1  }
0x31: {  	v3 =	vperm.xlane @!p0 v3, v5;
	v4 =	vadd.s32 @!p0 v6, v4;
	_ =	sdelay $0x1  }
0x32: {  	v3 =	vadd.s32 @!p0 v6, v3;
	_ =	sdelay $0x1  }
0x33: {  	s7 =	simm.s32 @!p0 $0x11180  }
0x34: {  	[hbm4b:s3+s6] =	stream.indirect_vreg.scatter @!p0 [tilespmem:s7], [sflag:$0x5], $0x80, v4, vm1, $0xb8;
	[tilespmem:$0x12180] =	vst v63  }
0x35: {  	s7 =	simm.s32 @!p0 $0x11980  }
0x36: {  	[hbm4b:s3+s6] =	stream.indirect_vreg.scatter @!p0 [tilespmem:s7], [sflag:$0x5], $0x80, v3, vm1, $0xb8;
	[tilespmem:$0x12180] =	vst v63  }
0x37: {  	s6 =	simm.s32 @!p0 $0x5  }
0x38: {  	_ =	swait.ge @!p0 [sflag:s6], $0x2000  }
0x39: {  	s5 =	sadd.s32 $0x1, s5;
	s11 =	rddreg [dreg:$0x7]  }
0x3a: {  	p1 =	sne.s32 s5, s11  }
.Ltmp1:
0x3b: {  	_ = 	snop;
	(pc) =	sbr.rel @!p1 .LBB2_13-.Ltmp1, $3  }
0x3c: {  	_ =	sdelay $0x1  }
0x3d: {  	[sflag:s6] =	ssyncset.done @!p0 $0x0  }
0x3e: {  	[sflag:s6] =	ssyncadd.s32 @!p0 $0xFFFFE000  }
.LBB2_1:
0x3f: {  	s6 =	rddreg [dreg:$0x3]  }
.Ltmp2:
0x40: {  	s11 =	rddreg [dreg:$0x4];
	(pc) =	sbr.rel .LBB2_2-.Ltmp2, $4  }
0x41: {  	s7 =	rddreg [dreg:$0x8]  }
0x42: {  	[tilespmem:s2], [sflag:$0x1] =	stream.linear.gather [hbm4b:s6+s2], $0x80, $0x38;
	[tilespmem:$0x12180] =	vst v63  }
0x43: {  	s8 =	simm.s32 $0x0;
	s6 =	rddreg [dreg:$0x9]  }
0x44: {  	[tilespmem:s12], [sflag:$0x1] =	stream.linear.gather [hbm4b:s11+s2], $0x8000, $0x38;
	[tilespmem:$0x12180] =	vst v63  }
.LBB2_8:
0x45: {  	[tilespmem:s2], [sflag:$0x1] =	stream.linear.gather [hbm4b:s7+s2], $0x80, $0x38;
	[tilespmem:$0x12180] =	vst v63  }
0x46: {  	s10 =	sadd.s32 s8, s9  }
0x47: {  	s10 =	sadd.s32 $0x40000, s10  }
0x48: {  	[tilespmem:s12], [sflag:$0x1] =	stream.linear.gather [hbm4b:s10+s2], $0x8000, $0x38;
	[tilespmem:$0x12180] =	vst v63  }
.LBB2_10:
0x49: {  	_ =	swait.ge [sflag:s1], $0x80  }
0x4a: {  	[sflag:s1] =	ssyncset.done $0x0  }
0x4b: {  	[sflag:s1] =	ssyncadd.s32 $0xFFFFFF80  }
0x4c: {  	_ =	swait.ge [sflag:s1], $0x8000  }
0x4d: {  	[sflag:s1] =	ssyncset.done $0x0  }
0x4e: {  	[sflag:s1] =	ssyncadd.s32 $0xFFFF8000  }
0x4f: {  	v3 =	vld [tilespmem:$0x80];
	_ =	sdelay $0x4  }
0x50: {  	v4 =	vshll.u32 v3, $0x1  }
0x51: {  	v3 =	vand.u32 $0x7, v3;
	v4 =	vand.u32 $0xFFFFFFF0, v4  }
0x52: {  	v3 =	vor.u32 v3, v4  }
0x53: {  	v4 =	vperm.xlane v3, v0;
	_ =	sdelay $0x1  }
0x54: {  	v3 =	vperm.xlane v3, v2;
	v4 =	vadd.s32 v1, v4;
	_ =	sdelay $0x1  }
0x55: {  	v3 =	vadd.s32 v1, v3;
	_ =	sdelay $0x2  }
0x56: {  	[hbm4b:s3+s2] =	stream.indirect_vreg.scatter [tilespmem:s14], [sflag:$0x4], $0x80, v4, vm0, $0xb8;
	[tilespmem:$0x12180] =	vst v63  }
0x57: {  	s10 =	simm.s32 $0x8900  }
0x58: {  	[hbm4b:s3+s2] =	stream.indirect_vreg.scatter [tilespmem:s10], [sflag:$0x4], $0x80, v3, vm0, $0xb8;
	[tilespmem:$0x12180] =	vst v63  }
0x59: {  	v3 =	vld [tilespmem:$0x90];
	_ =	sdelay $0x4  }
0x5a: {  	v57 =	vshll.u32 v3, $0x1  }
0x5b: {  	v3 =	vand.u32 $0x7, v3;
	v4 =	vand.u32 $0xFFFFFFF0, v57  }
0x5c: {  	v3 =	vor.u32 v3, v4  }
0x5d: {  	v4 =	vperm.xlane v3, v0;
	_ =	sdelay $0x1  }
0x5e: {  	v3 =	vperm.xlane v3, v2;
	v4 =	vadd.s32 v1, v4;
	_ =	sdelay $0x1  }
0x5f: {  	v3 =	vadd.s32 v1, v3;
	_ =	sdelay $0x1  }
0x60: {  	s11 =	simm.s32 $0x9100  }
0x61: {  	[hbm4b:s3+s2] =	stream.indirect_vreg.scatter [tilespmem:s11], [sflag:$0x4], $0x80, v4, vm0, $0xb8;
	[tilespmem:$0x12180] =	vst v63  }
0x62: {  	s11 =	simm.s32 $0x9900  }
0x63: {  	[hbm4b:s3+s2] =	stream.indirect_vreg.scatter [tilespmem:s11], [sflag:$0x4], $0x80, v3, vm0, $0xb8;
	[tilespmem:$0x12180] =	vst v63  }
0x64: {  	v3 =	vld [tilespmem:$0xA0];
	_ =	sdelay $0x4  }
0x65: {  	v58 =	vshll.u32 v3, $0x1  }
0x66: {  	v3 =	vand.u32 $0x7, v3;
	v4 =	vand.u32 $0xFFFFFFF0, v58  }
0x67: {  	v3 =	vor.u32 v3, v4  }
0x68: {  	v4 =	vperm.xlane v3, v0;
	_ =	sdelay $0x1  }
0x69: {  	v3 =	vperm.xlane v3, v2;
	v4 =	vadd.s32 v1, v4;
	_ =	sdelay $0x1  }
0x6a: {  	v3 =	vadd.s32 v1, v3;
	_ =	sdelay $0x1  }
0x6b: {  	s11 =	simm.s32 $0xA100  }
0x6c: {  	[hbm4b:s3+s2] =	stream.indirect_vreg.scatter [tilespmem:s11], [sflag:$0x4], $0x80, v4, vm0, $0xb8;
	[tilespmem:$0x12180] =	vst v63  }
0x6d: {  	s11 =	simm.s32 $0xA900  }
0x6e: {  	[hbm4b:s3+s2] =	stream.indirect_vreg.scatter [tilespmem:s11], [sflag:$0x4], $0x80, v3, vm0, $0xb8;
	[tilespmem:$0x12180] =	vst v63  }
0x6f: {  	v3 =	vld [tilespmem:$0xB0];
	_ =	sdelay $0x4  }
0x70: {  	v59 =	vshll.u32 v3, $0x1  }
0x71: {  	v3 =	vand.u32 $0x7, v3;
	v4 =	vand.u32 $0xFFFFFFF0, v59  }
0x72: {  	v3 =	vor.u32 v3, v4  }
0x73: {  	v4 =	vperm.xlane v3, v0;
	_ =	sdelay $0x1  }
0x74: {  	v3 =	vperm.xlane v3, v2;
	v4 =	vadd.s32 v1, v4;
	_ =	sdelay $0x1  }
0x75: {  	v3 =	vadd.s32 v1, v3;
	_ =	sdelay $0x1  }
0x76: {  	s11 =	simm.s32 $0xB100  }
0x77: {  	[hbm4b:s3+s2] =	stream.indirect_vreg.scatter [tilespmem:s11], [sflag:$0x4], $0x80, v4, vm0, $0xb8;
	[tilespmem:$0x12180] =	vst v63  }
0x78: {  	s11 =	simm.s32 $0xB900  }
0x79: {  	[hbm4b:s3+s2] =	stream.indirect_vreg.scatter [tilespmem:s11], [sflag:$0x4], $0x80, v3, vm0, $0xb8;
	[tilespmem:$0x12180] =	vst v63  }
0x7a: {  	v3 =	vld [tilespmem:$0xC0];
	_ =	sdelay $0x4  }
0x7b: {  	v60 =	vshll.u32 v3, $0x1  }
0x7c: {  	v3 =	vand.u32 $0x7, v3;
	v4 =	vand.u32 $0xFFFFFFF0, v60  }
0x7d: {  	v3 =	vor.u32 v3, v4  }
0x7e: {  	v4 =	vperm.xlane v3, v0;
	_ =	sdelay $0x1  }
0x7f: {  	v3 =	vperm.xlane v3, v2;
	v4 =	vadd.s32 v1, v4;
	_ =	sdelay $0x1  }
0x80: {  	v3 =	vadd.s32 v1, v3;
	_ =	sdelay $0x1  }
0x81: {  	s11 =	simm.s32 $0xC100  }
0x82: {  	[hbm4b:s3+s2] =	stream.indirect_vreg.scatter [tilespmem:s11], [sflag:$0x4], $0x80, v4, vm0, $0xb8;
	[tilespmem:$0x12180] =	vst v63  }
0x83: {  	s11 =	simm.s32 $0xC900  }
0x84: {  	[hbm4b:s3+s2] =	stream.indirect_vreg.scatter [tilespmem:s11], [sflag:$0x4], $0x80, v3, vm0, $0xb8;
	[tilespmem:$0x12180] =	vst v63  }
0x85: {  	v3 =	vld [tilespmem:$0xD0];
	_ =	sdelay $0x4  }
0x86: {  	v61 =	vshll.u32 v3, $0x1  }
0x87: {  	v3 =	vand.u32 $0x7, v3;
	v4 =	vand.u32 $0xFFFFFFF0, v61  }
0x88: {  	v3 =	vor.u32 v3, v4  }
0x89: {  	v4 =	vperm.xlane v3, v0;
	_ =	sdelay $0x1  }
0x8a: {  	v3 =	vperm.xlane v3, v2;
	v4 =	vadd.s32 v1, v4;
	_ =	sdelay $0x1  }
0x8b: {  	v3 =	vadd.s32 v1, v3;
	_ =	sdelay $0x1  }
0x8c: {  	s11 =	simm.s32 $0xD100  }
0x8d: {  	[hbm4b:s3+s2] =	stream.indirect_vreg.scatter [tilespmem:s11], [sflag:$0x4], $0x80, v4, vm0, $0xb8;
	[tilespmem:$0x12180] =	vst v63  }
0x8e: {  	s11 =	simm.s32 $0xD900  }
0x8f: {  	[hbm4b:s3+s2] =	stream.indirect_vreg.scatter [tilespmem:s11], [sflag:$0x4], $0x80, v3, vm0, $0xb8;
	[tilespmem:$0x12180] =	vst v63  }
0x90: {  	v3 =	vld [tilespmem:$0xE0];
	_ =	sdelay $0x4  }
0x91: {  	v62 =	vshll.u32 v3, $0x1  }
0x92: {  	v3 =	vand.u32 $0x7, v3;
	v4 =	vand.u32 $0xFFFFFFF0, v62  }
0x93: {  	v3 =	vor.u32 v3, v4  }
0x94: {  	v4 =	vperm.xlane v3, v0;
	_ =	sdelay $0x1  }
0x95: {  	v3 =	vperm.xlane v3, v2;
	v4 =	vadd.s32 v1, v4;
	_ =	sdelay $0x1  }
0x96: {  	v3 =	vadd.s32 v1, v3;
	_ =	sdelay $0x1  }
0x97: {  	s11 =	simm.s32 $0xE100  }
0x98: {  	[hbm4b:s3+s2] =	stream.indirect_vreg.scatter [tilespmem:s11], [sflag:$0x4], $0x80, v4, vm0, $0xb8;
	[tilespmem:$0x12180] =	vst v63  }
0x99: {  	s11 =	simm.s32 $0xE900  }
0x9a: {  	[hbm4b:s3+s2] =	stream.indirect_vreg.scatter [tilespmem:s11], [sflag:$0x4], $0x80, v3, vm0, $0xb8;
	[tilespmem:$0x12180] =	vst v63  }
0x9b: {  	v3 =	vld [tilespmem:$0xF0];
	_ =	sdelay $0x4  }
0x9c: {  	v63 =	vshll.u32 v3, $0x1  }
0x9d: {  	v3 =	vand.u32 $0x7, v3;
	v4 =	vand.u32 $0xFFFFFFF0, v63  }
0x9e: {  	v3 =	vor.u32 v3, v4  }
0x9f: {  	v4 =	vperm.xlane v3, v0;
	_ =	sdelay $0x1  }
0xa0: {  	v3 =	vperm.xlane v3, v2;
	v4 =	vadd.s32 v1, v4;
	_ =	sdelay $0x1  }
0xa1: {  	v3 =	vadd.s32 v1, v3;
	_ =	sdelay $0x1  }
0xa2: {  	s11 =	simm.s32 $0xF100  }
0xa3: {  	[hbm4b:s3+s2] =	stream.indirect_vreg.scatter [tilespmem:s11], [sflag:$0x4], $0x80, v4, vm0, $0xb8;
	[tilespmem:$0x12180] =	vst v63  }
0xa4: {  	_ = 	snop  }
0xa5: {  	[hbm4b:s3+s2] =	stream.indirect_vreg.scatter [tilespmem:s4], [sflag:$0x4], $0x80, v3, vm0, $0xb8;
	[tilespmem:$0x12180] =	vst v63  }
.LBB2_11:
0xa6: {  	s8 =	sadd.s32 $0x40000, s8  }
0xa7: {  	p1 =	sne.s32 s8, $0x340000  }
.Ltmp3:
0xa8: {  	_ = 	snop;
	(pc) =	sbr.rel @!p1 .LBB2_12-.Ltmp3, $2  }
0xa9: {  	_ =	sdelay $0x2  }
0xaa: {  	s7 =	sadd.s32 $0x400, s7;
	s6 =	sadd.s32 $0x40, s6  }
.LBB2_2:
0xab: {  	s10 =	sadd.s32 $0xFFFFFFE0, s6  }
0xac: {  	p2 =	sgt.u32 s10, $0x2EC  }
.Ltmp4:
0xad: {  	p1 =	seq.s32 s8, $0x0;
	(pc) =	sbr.rel @p2 .LBB2_4-.Ltmp4, $4  }
0xae: {  	s11 =	simm.s32 @!p1 $0x4  }
0xaf: {  	_ =	swait.ge @!p1 [sflag:s11], $0x8000  }
0xb0: {  	[sflag:s11] =	ssyncset.done @!p1 $0x0  }
0xb1: {  	[sflag:s11] =	ssyncadd.s32 @!p1 $0xFFFF8000  }
.Ltmp5:
0xb2: {  	(pc) =	sbr.rel .LBB2_5-.Ltmp5, $4  }
0xb3: {  	s10 =	sadd.s32 $0xFFFFFE00, s7;
	s11 =	sadd.s32 s8, s9  }
0xb4: {  	[tilespmem:s13], [sflag:$0x2] =	stream.linear.gather [hbm4b:s10+s2], $0x80, $0x38;
	[tilespmem:$0x12180] =	vst v63  }
0xb5: {  	s10 =	sadd.s32 $0x20000, s11  }
0xb6: {  	[tilespmem:s14], [sflag:$0x2] =	stream.linear.gather [hbm4b:s10+s2], $0x8000, $0x38;
	[tilespmem:$0x12180] =	vst v63  }
.LBB2_4:
0xb7: {  	p1 =	sgt.u32 s10, $0x30C  }
.Ltmp6:
0xb8: {  	_ = 	snop;
	(pc) =	sbr.rel @p1 .LBB2_6-.Ltmp6, $1  }
0xb9: {  	_ =	sdelay $0x3  }
.LBB2_5:
0xba: {  	_ =	swait.ge [sflag:s15], $0x80  }
0xbb: {  	[sflag:s15] =	ssyncset.done $0x0  }
0xbc: {  	[sflag:s15] =	ssyncadd.s32 $0xFFFFFF80  }
0xbd: {  	_ =	swait.ge [sflag:s15], $0x8000  }
0xbe: {  	[sflag:s15] =	ssyncset.done $0x0  }
0xbf: {  	[sflag:s15] =	ssyncadd.s32 $0xFFFF8000  }
0xc0: {  	v3 =	vld [tilespmem:$0x0];
	_ =	sdelay $0x4  }
0xc1: {  	v4 =	vshll.u32 v3, $0x1  }
0xc2: {  	v3 =	vand.u32 $0x7, v3;
	v4 =	vand.u32 $0xFFFFFFF0, v4  }
0xc3: {  	v3 =	vor.u32 v3, v4  }
0xc4: {  	v4 =	vperm.xlane v3, v0;
	_ =	sdelay $0x1  }
0xc5: {  	v3 =	vperm.xlane v3, v2;
	v4 =	vadd.s32 v1, v4;
	_ =	sdelay $0x1  }
0xc6: {  	v3 =	vadd.s32 v1, v3;
	_ =	sdelay $0x2  }
0xc7: {  	[hbm4b:s3+s2] =	stream.indirect_vreg.scatter [tilespmem:s12], [sflag:$0x3], $0x80, v4, vm0, $0xb8;
	[tilespmem:$0x12180] =	vst v63  }
0xc8: {  	_ = 	snop  }
0xc9: {  	[hbm4b:s3+s2] =	stream.indirect_vreg.scatter [tilespmem:s16], [sflag:$0x3], $0x80, v3, vm0, $0xb8;
	[tilespmem:$0x12180] =	vst v63  }
0xca: {  	v3 =	vld [tilespmem:$0x10];
	_ =	sdelay $0x4  }
0xcb: {  	v57 =	vshll.u32 v3, $0x1  }
0xcc: {  	v3 =	vand.u32 $0x7, v3;
	v4 =	vand.u32 $0xFFFFFFF0, v57  }
0xcd: {  	v3 =	vor.u32 v3, v4  }
0xce: {  	v4 =	vperm.xlane v3, v0;
	_ =	sdelay $0x1  }
0xcf: {  	v3 =	vperm.xlane v3, v2;
	v4 =	vadd.s32 v1, v4;
	_ =	sdelay $0x1  }
0xd0: {  	v3 =	vadd.s32 v1, v3;
	_ =	sdelay $0x2  }
0xd1: {  	[hbm4b:s3+s2] =	stream.indirect_vreg.scatter [tilespmem:s17], [sflag:$0x3], $0x80, v4, vm0, $0xb8;
	[tilespmem:$0x12180] =	vst v63  }
0xd2: {  	_ = 	snop  }
0xd3: {  	[hbm4b:s3+s2] =	stream.indirect_vreg.scatter [tilespmem:s18], [sflag:$0x3], $0x80, v3, vm0, $0xb8;
	[tilespmem:$0x12180] =	vst v63  }
0xd4: {  	v3 =	vld [tilespmem:$0x20];
	_ =	sdelay $0x4  }
0xd5: {  	v58 =	vshll.u32 v3, $0x1  }
0xd6: {  	v3 =	vand.u32 $0x7, v3;
	v4 =	vand.u32 $0xFFFFFFF0, v58  }
0xd7: {  	v3 =	vor.u32 v3, v4  }
0xd8: {  	v4 =	vperm.xlane v3, v0;
	_ =	sdelay $0x1  }
0xd9: {  	v3 =	vperm.xlane v3, v2;
	v4 =	vadd.s32 v1, v4;
	_ =	sdelay $0x1  }
0xda: {  	v3 =	vadd.s32 v1, v3;
	_ =	sdelay $0x2  }
0xdb: {  	[hbm4b:s3+s2] =	stream.indirect_vreg.scatter [tilespmem:s19], [sflag:$0x3], $0x80, v4, vm0, $0xb8;
	[tilespmem:$0x12180] =	vst v63  }
0xdc: {  	_ = 	snop  }
0xdd: {  	[hbm4b:s3+s2] =	stream.indirect_vreg.scatter [tilespmem:s20], [sflag:$0x3], $0x80, v3, vm0, $0xb8;
	[tilespmem:$0x12180] =	vst v63  }
0xde: {  	v3 =	vld [tilespmem:$0x30];
	_ =	sdelay $0x4  }
0xdf: {  	v59 =	vshll.u32 v3, $0x1  }
0xe0: {  	v3 =	vand.u32 $0x7, v3;
	v4 =	vand.u32 $0xFFFFFFF0, v59  }
0xe1: {  	v3 =	vor.u32 v3, v4  }
0xe2: {  	v4 =	vperm.xlane v3, v0;
	_ =	sdelay $0x1  }
0xe3: {  	v3 =	vperm.xlane v3, v2;
	v4 =	vadd.s32 v1, v4;
	_ =	sdelay $0x1  }
0xe4: {  	v3 =	vadd.s32 v1, v3;
	_ =	sdelay $0x2  }
0xe5: {  	[hbm4b:s3+s2] =	stream.indirect_vreg.scatter [tilespmem:s21], [sflag:$0x3], $0x80, v4, vm0, $0xb8;
	[tilespmem:$0x12180] =	vst v63  }
0xe6: {  	_ = 	snop  }
0xe7: {  	[hbm4b:s3+s2] =	stream.indirect_vreg.scatter [tilespmem:s22], [sflag:$0x3], $0x80, v3, vm0, $0xb8;
	[tilespmem:$0x12180] =	vst v63  }
0xe8: {  	v3 =	vld [tilespmem:$0x40];
	_ =	sdelay $0x4  }
0xe9: {  	v60 =	vshll.u32 v3, $0x1  }
0xea: {  	v3 =	vand.u32 $0x7, v3;
	v4 =	vand.u32 $0xFFFFFFF0, v60  }
0xeb: {  	v3 =	vor.u32 v3, v4  }
0xec: {  	v4 =	vperm.xlane v3, v0;
	_ =	sdelay $0x1  }
0xed: {  	v3 =	vperm.xlane v3, v2;
	v4 =	vadd.s32 v1, v4;
	_ =	sdelay $0x1  }
0xee: {  	v3 =	vadd.s32 v1, v3;
	_ =	sdelay $0x2  }
0xef: {  	[hbm4b:s3+s2] =	stream.indirect_vreg.scatter [tilespmem:s23], [sflag:$0x3], $0x80, v4, vm0, $0xb8;
	[tilespmem:$0x12180] =	vst v63  }
0xf0: {  	_ = 	snop  }
0xf1: {  	[hbm4b:s3+s2] =	stream.indirect_vreg.scatter [tilespmem:s24], [sflag:$0x3], $0x80, v3, vm0, $0xb8;
	[tilespmem:$0x12180] =	vst v63  }
0xf2: {  	v3 =	vld [tilespmem:$0x50];
	_ =	sdelay $0x4  }
0xf3: {  	v61 =	vshll.u32 v3, $0x1  }
0xf4: {  	v3 =	vand.u32 $0x7, v3;
	v4 =	vand.u32 $0xFFFFFFF0, v61  }
0xf5: {  	v3 =	vor.u32 v3, v4  }
0xf6: {  	v4 =	vperm.xlane v3, v0;
	_ =	sdelay $0x1  }
0xf7: {  	v3 =	vperm.xlane v3, v2;
	v4 =	vadd.s32 v1, v4;
	_ =	sdelay $0x1  }
0xf8: {  	v3 =	vadd.s32 v1, v3;
	_ =	sdelay $0x2  }
0xf9: {  	[hbm4b:s3+s2] =	stream.indirect_vreg.scatter [tilespmem:s25], [sflag:$0x3], $0x80, v4, vm0, $0xb8;
	[tilespmem:$0x12180] =	vst v63  }
0xfa: {  	_ = 	snop  }
0xfb: {  	[hbm4b:s3+s2] =	stream.indirect_vreg.scatter [tilespmem:s26], [sflag:$0x3], $0x80, v3, vm0, $0xb8;
	[tilespmem:$0x12180] =	vst v63  }
0xfc: {  	v3 =	vld [tilespmem:$0x60];
	_ =	sdelay $0x4  }
0xfd: {  	v62 =	vshll.u32 v3, $0x1  }
0xfe: {  	v3 =	vand.u32 $0x7, v3;
	v4 =	vand.u32 $0xFFFFFFF0, v62  }
0xff: {  	v3 =	vor.u32 v3, v4  }
0x100: {  	v4 =	vperm.xlane v3, v0;
	_ =	sdelay $0x1  }
0x101: {  	v3 =	vperm.xlane v3, v2;
	v4 =	vadd.s32 v1, v4;
	_ =	sdelay $0x1  }
0x102: {  	v3 =	vadd.s32 v1, v3;
	_ =	sdelay $0x2  }
0x103: {  	[hbm4b:s3+s2] =	stream.indirect_vreg.scatter [tilespmem:s28], [sflag:$0x3], $0x80, v4, vm0, $0xb8;
	[tilespmem:$0x12180] =	vst v63  }
0x104: {  	_ = 	snop  }
0x105: {  	[hbm4b:s3+s2] =	stream.indirect_vreg.scatter [tilespmem:s29], [sflag:$0x3], $0x80, v3, vm0, $0xb8;
	[tilespmem:$0x12180] =	vst v63  }
0x106: {  	v3 =	vld [tilespmem:$0x70];
	_ =	sdelay $0x4  }
0x107: {  	v63 =	vshll.u32 v3, $0x1  }
0x108: {  	v3 =	vand.u32 $0x7, v3;
	v4 =	vand.u32 $0xFFFFFFF0, v63  }
0x109: {  	v3 =	vor.u32 v3, v4  }
0x10a: {  	v4 =	vperm.xlane v3, v0;
	_ =	sdelay $0x1  }
0x10b: {  	v3 =	vperm.xlane v3, v2;
	v4 =	vadd.s32 v1, v4;
	_ =	sdelay $0x1  }
0x10c: {  	v3 =	vadd.s32 v1, v3;
	_ =	sdelay $0x2  }
0x10d: {  	[hbm4b:s3+s2] =	stream.indirect_vreg.scatter [tilespmem:s30], [sflag:$0x3], $0x80, v4, vm0, $0xb8;
	[tilespmem:$0x12180] =	vst v63  }
0x10e: {  	_ = 	snop  }
0x10f: {  	[hbm4b:s3+s2] =	stream.indirect_vreg.scatter [tilespmem:s31], [sflag:$0x3], $0x80, v3, vm0, $0xb8;
	[tilespmem:$0x12180] =	vst v63  }
.LBB2_6:
0x110: {  	p1 =	sgt.u32 s6, $0x32C  }
.Ltmp7:
0x111: {  	_ = 	snop;
	(pc) =	sbr.rel @p1 .LBB2_11-.Ltmp7, $1  }
0x112: {  	_ =	sdelay $0x3  }
0x113: {  	p1 =	sgt.u32 s6, $0x2EC  }
.Ltmp8:
0x114: {  	_ = 	snop;
	(pc) =	sbr.rel @!p1 .LBB2_8-.Ltmp8, $4  }
0x115: {  	_ = 	snop  }
0x116: {  	_ =	swait.ge [sflag:s0], $0x8000  }
0x117: {  	[sflag:s0] =	ssyncset.done $0x0  }
0x118: {  	[sflag:s0] =	ssyncadd.s32 $0xFFFF8000  }
0x119: {  	p1 =	sgt.u32 s6, $0x30C  }
.Ltmp9:
0x11a: {  	_ = 	snop;
	(pc) =	sbr.rel @p1 .LBB2_11-.Ltmp9, $4  }
.Ltmp10:
0x11b: {  	_ = 	snop;
	(pc) =	sbr.rel @!p1 .LBB2_10-.Ltmp10, $4  }
0x11c: {  	_ = 	snop  }
0x11d: {  	_ = 	snop  }
0x11e: {  	_ = 	snop  }
0x11f: {  	_ = 	snop  }
.LBB2_13:
0x120: {  	_ =	sfence.sel $0x180000  }
0x121: {  	[bflag:$0x0] =	sbarrier.arrive $0xFFFF  }
0x122: {  	_ =	strace $0x90000047  }
0x123: {  	s0 =	stileid.u32;
	[bflag:$0x2] =	sbarrier.arrive $0xFFFF  }
0x124: {  	p0 =	sne.s32 s0, $0x0;
	s0 =	rddreg [dreg:$0x2]  }
0x125: {  	s0 =	sadd.s32 @!p0 $0x100000, s0  }
0x126: {  	[sflag:s0] =	ssyncadd.tile.s32 @!p0 $0x1;
	_ =	shalt  }
.Lfunc_end2:
_tile_overlayer_lowered:
.L_overlay_start_2:
0x127: {  	(tag) =	ssettag $0x2  }
0x128: {  	s0 =	rddreg [dreg:$0x0];
	s2 =	stileid.u32  }
0x129: {  	s1 =	rddreg [dreg:$0x1];
	p0 =	sne.s32 s2, $0x0  }
0x12a: {  	s3 =	rddreg [dreg:$0x2];
	[bflag:$0x3] =	sbarrier.arrive $0xFFFF;
	s2 =	simm.s32 @!p0 $0x1C06  }
0x12b: {  	[timem:s3], [sflag:s2] =	dma.local @!p0 [hbm:s0], s1  }
0x12c: {  	s0 =	simm.s32 @!p0 $0x6  }
0x12d: {  	_ =	swait.ge @!p0 [sflag:s0], s1  }
0x12e: {  	s1 =	ssub.s32 @!p0 $0x0, s1;
	[sflag:s0] =	ssyncset.done @!p0 $0x0  }
0x12f: {  	[sflag:s0] =	ssyncadd.s32 @!p0 s1  }
0x130: {  	[bflag:$0x3] =	sbarrier.arrive $0xFFFF  }
0x131: {  	_ =	shalt  }

// kernel: kernel.8.cloned.1.call-start
scs
__scs_entry_jumppad:
0x0: {  	(pc) =	sbr.rel $0x88, $3  }
0x1: {  	(tag) =	ssettag $0x0;
	lr =	simm.s32 $0x1  }
0x2: {  	[smem:$0x3F93] =	sst lr;
	_ =	strace $0xD0000000  }
0x3: {  	_ = 	snop  }
0x4: {  	_ = 	snop  }
0x5: {  	_ = 	snop  }
0x6: {  	_ = 	snop  }
0x7: {  	_ = 	snop  }
__scs_overlays_trampoline_lowered:
0x8: {  	[smem:$0x3FA2] =	sst s0  }
0x9: {  	[smem:$0x3FA3] =	sst s1  }
0xa: {  	[smem:$0x3FA4] =	sst s2  }
0xb: {  	[smem:$0x3FA5] =	sst s3  }
0xc: {  	[smem:$0x3FA6] =	sst s4  }
0xd: {  	[smem:$0x3FA7] =	sst s5  }
0xe: {  	[smem:$0x3FA8] =	sst s6  }
0xf: {  	[smem:$0x3FA9] =	sst s7  }
0x10: {  	[smem:$0x3FAA] =	sst s8  }
0x11: {  	[smem:$0x3FAB] =	sst s9;
	s0 =	simm.s32 @!p0 $0x0  }
0x12: {  	s1 =	sld [smem:$0x3F91];
	s0 =	simm.s32 @p0 $0x1  }
0x13: {  	[smem:$0x3FAC] =	sst s0;
	s0 =	simm.s32 @!p1 $0x0  }
0x14: {  	s2 =	sld [smem:$0x3F90];
	s0 =	simm.s32 @p1 $0x1  }
0x15: {  	[smem:$0x3FAD] =	sst s0;
	s0 =	simm.s32 @!p2 $0x0  }
0x16: {  	s3 =	sld [smem:$0x3FDB];
	s0 =	simm.s32 @p2 $0x1  }
0x17: {  	s4 =	simm.s32 $0x1BF5;
	[smem:$0x3FAF] =	sst s0  }
0x18: {  	s0 =	sld [smem:$0x3F92];
	_ =	swait.ge [sflag:s4], $0x0  }
0x19: {  	s7 =	sld [smem:$0x3F93]  }
0x1a: {  	s8 =	sadd.s32 $0xFFFFE003, lr  }
0x1b: {  	s9 =	sadd.s32 $0xFFFFFEF7, lr;
	s5 =	simm.s32 $0xFFFFFFFF;
	p2 =	slt.u32 s8, $0xFFFFF086  }
0x1c: {  	p1 =	slt.u32 s9, $0xF7A;
	s5 =	simm.s32 @!p2 $0x0  }
0x1d: {  	s5 =	simm.s32 @p1 $0x1;
	p0 =	seq.s32 s7, s2  }
0x1e: {  	s7 =	smul.u32 @!p0 $0xF7A, s2;
	p2 =	seq.s32 @!p0 s5, $0x0  }
0x1f: {  	s9 =	smul.u32 $0xF7A, s1;
	s8 =	simm.s32 @!p0 $0x1BF5;
	p2 =	por !p2, p0  }
0x20: {  	[sflag:s8] =	ssyncset.s32 @!p0 $0xFFFFF086;
	s6 =	sadd.s32 @!p0 s3, s7;
	s7 =	simm.s32 @!p0 $0x108  }
0x21: {  	s3 =	sadd.s32 s3, s9;
	s6 =	sadd.s32 @!p0 $0x88, s6;
	s7 =	simm.s32 @p2 $0x1082  }
0x22: {  	[simem:s7], [sflag:s8] =	dma.local @!p0 [hbm:s6], $0xF7A  }
0x23: {  	s9 =	sor.u32 $0xD0000000, s2;
	s6 =	simm.s32 $0x108;
	_ =	swait.ge @!p0 [sflag:s8], $0x0  }
0x24: {  	s3 =	sadd.s32 $0x88, s3;
	s6 =	simm.s32 @!p1 $0x1082;
	[sflag:s4] =	ssyncset.s32 $0xFFFFF086  }
0x25: {  	[simem:s6], [sflag:s4] =	dma.local [hbm:s3], $0xF7A  }
0x26: {  	[smem:$0x3F93] =	sst s1;
	(tag) =	ssettag s2;
	_ =	strace s9  }
0x27: {  	s1 =	sld [smem:$0x3FA3]  }
0x28: {  	s2 =	sld [smem:$0x3FA4]  }
0x29: {  	s4 =	sld [smem:$0x3FA6]  }
0x2a: {  	p0 =	seq.s32 s5, $0x0;
	s5 =	sld [smem:$0x3FA7]  }
0x2b: {  	s6 =	sld [smem:$0x3FA8]  }
0x2c: {  	s7 =	sld [smem:$0x3FA9]  }
0x2d: {  	s3 =	simm.s32 $0x108;
	s8 =	sld [smem:$0x3FAA]  }
0x2e: {  	s3 =	simm.s32 @!p0 $0x1082;
	s9 =	sld [smem:$0x3FAB]  }
0x2f: {  	lr =	sadd.s32 s0, s3;
	s0 =	sld [smem:$0x3FA2]  }
0x30: {  	s3 =	sld [smem:$0x3FA5]  }
0x31: {  	[smem:$0x3FAE] =	sst s10  }
0x32: {  	s10 =	sld [smem:$0x3FAC];
	_ =	sdelay $0x3  }
0x33: {  	p0 =	seq.s32 s10, $0x1;
	s10 =	sld [smem:$0x3FAE];
	_ =	sdelay $0x3  }
0x34: {  	[smem:$0x3FAE] =	sst s10  }
0x35: {  	s10 =	sld [smem:$0x3FAD];
	_ =	sdelay $0x3  }
0x36: {  	p1 =	seq.s32 s10, $0x1;
	s10 =	sld [smem:$0x3FAE];
	_ =	sdelay $0x3  }
0x37: {  	[smem:$0x3FAE] =	sst s10  }
0x38: {  	s10 =	sld [smem:$0x3FAF]  }
0x39: {  	_ = 	snop;
	(pc) =	sbr.ind lr, $3  }
0x3a: {  	_ = 	snop  }
0x3b: {  	_ = 	snop  }
0x3c: {  	p2 =	seq.s32 s10, $0x1;
	s10 =	sld [smem:$0x3FAE]  }
0x3d: {  	_ =	shalt  }
0x3e: {  	_ =	shalt  }
0x3f: {  	_ =	shalt  }
0x40: {  	_ =	shalt  }
0x41: {  	_ =	shalt  }
0x42: {  	_ =	shalt  }
0x43: {  	_ =	shalt  }
0x44: {  	_ =	shalt  }
0x45: {  	_ =	shalt  }
0x46: {  	_ =	shalt  }
0x47: {  	_ =	shalt  }
0x48: {  	_ =	shalt  }
0x49: {  	_ =	shalt  }
0x4a: {  	_ =	shalt  }
0x4b: {  	_ =	shalt  }
0x4c: {  	_ =	shalt  }
0x4d: {  	_ =	shalt  }
0x4e: {  	_ =	shalt  }
0x4f: {  	_ =	shalt  }
0x50: {  	_ =	shalt  }
0x51: {  	_ =	shalt  }
0x52: {  	_ =	shalt  }
0x53: {  	_ =	shalt  }
0x54: {  	_ =	shalt  }
0x55: {  	_ =	shalt  }
0x56: {  	_ =	shalt  }
0x57: {  	_ =	shalt  }
0x58: {  	_ =	shalt  }
0x59: {  	_ =	shalt  }
0x5a: {  	_ =	shalt  }
0x5b: {  	_ =	shalt  }
0x5c: {  	_ =	shalt  }
0x5d: {  	_ =	shalt  }
0x5e: {  	_ =	shalt  }
0x5f: {  	_ =	shalt  }
0x60: {  	_ =	shalt  }
0x61: {  	_ =	shalt  }
0x62: {  	_ =	shalt  }
0x63: {  	_ =	shalt  }
0x64: {  	_ =	shalt  }
0x65: {  	_ =	shalt  }
0x66: {  	_ =	shalt  }
0x67: {  	_ =	shalt  }
0x68: {  	_ =	shalt  }
0x69: {  	_ =	shalt  }
0x6a: {  	_ =	shalt  }
0x6b: {  	_ =	shalt  }
0x6c: {  	_ =	shalt  }
0x6d: {  	_ =	shalt  }
0x6e: {  	_ =	shalt  }
0x6f: {  	_ =	shalt  }
0x70: {  	_ =	shalt  }
0x71: {  	_ =	shalt  }
0x72: {  	_ =	shalt  }
0x73: {  	_ =	shalt  }
0x74: {  	_ =	shalt  }
0x75: {  	_ =	shalt  }
0x76: {  	_ =	shalt  }
0x77: {  	_ =	shalt  }
0x78: {  	_ =	shalt  }
0x79: {  	_ =	shalt  }
0x7a: {  	_ =	shalt  }
0x7b: {  	_ =	shalt  }
0x7c: {  	_ =	shalt  }
0x7d: {  	_ =	shalt  }
0x7e: {  	_ =	shalt  }
0x7f: {  	_ =	shalt  }
0x80: {  	_ =	shalt  }
0x81: {  	_ =	shalt  }
0x82: {  	_ =	shalt  }
0x83: {  	_ =	shalt  }
0x84: {  	_ =	shalt  }
0x85: {  	_ =	shalt  }
0x86: {  	_ =	shalt  }
0x87: {  	_ =	shalt  }
.Lfunc_end0:
.L_simem_size_0:
called_computation.1_lowered:
.L_overlay_start_0:
0x88: {  	s2 =	sld [smem:$0x3FD9]  }
0x89: {  	s3 =	sld [smem:$0x3FFE];
	_ =	sdelay $0x1  }
0x8a: {  	s1 =	srdreg.scid  }
0x8b: {  	s0 =	sand.u32 $0x1, s1  }
0x8c: {  	s16 =	sshll.u32 s0, $0xA;
	s2 =	sadd.s32 s3, s2  }
0x8d: {  	s2 =	sadd.s32 s2, s16  }
0x8e: {  	[smem:$0x3FBA] =	sst s2  }
0x8f: {  	_ = 	snop  }
0x90: {  	(tm) =	ssettm $0x1  }
0x91: {  	s17 =	sld [smem:$0x3FFB];
	_ =	sdelay $0x3  }
0x92: {  	_ =	strace s17  }
0x93: {  	s2 =	sld [smem:$0x3FFC];
	_ =	sdelay $0x3  }
0x94: {  	_ =	strace s2  }
0x95: {  	s2 =	sld [smem:$0x3FFD];
	_ =	sdelay $0x3  }
0x96: {  	_ =	strace s2  }
0x97: {  	_ =	strace $0x8FFFFFFF  }
0x98: {  	s18 =	sld [smem:$0x3FDB];
	_ =	sdelay $0x1  }
0x99: {  	s19 =	simm.s32 $_scs_section_size  }
0x9a: {  	s4 =	simm.s32 $_size__tile_overlayer_lowered;
	s5 =	simm.s32 $_tile_overlayer_lowered  }
0x9b: {  	s22 =	simm.s32 $0x1BFF;
	s21 =	sshll.u32 s5, $0x1;
	s2 =	sadd.s32 s19, s18  }
0x9c: {  	s6 =	simm.s32 $0x0;
	s20 =	sshll.u32 s4, $0x1;
	s4 =	sadd.s32 s21, s2  }
0x9d: {  	[timem:s6], [sflag:s22] =	dma.local [hbm:s4], s20  }
0x9e: {  	_ =	swait.ge [sflag:s22], s20  }
0x9f: {  	s3 =	ssub.s32 $0x0, s20;
	[sflag:s22] =	ssyncset.done $0x0  }
0xa0: {  	[sflag:s22] =	ssyncadd.s32 s3;
	_ =	sdelay $0x1  }
0xa1: {  	s23 =	simm.s32 $0x1B8B  }
0xa2: {  	_ =	swait.ge [sflag:s23], $0x1  }
0xa3: {  	[sflag:s23] =	ssyncset.done $0x0  }
0xa4: {  	s25 =	simm.s32 $0x1B8E;
	s24 =	sld [smem:$0x3FFE];
	[sflag:s23] =	ssyncadd.s32 $0xFFFFFFFF  }
0xa5: {  	s26 =	simm.s32 $execute0_lowered;
	[smem:$0x3FD2] =	sst s25  }
0xa6: {  	s4 =	sshll.u32 s26, $0x1;
	_ =	strace $0x80000049;
	[dreg:$0x1] =	wrdreg $0xFFFFFFFF  }
0xa7: {  	s28 =	simm.s32 $_size_execute0_lowered;
	s2 =	sadd.s32 s2, s4;
	[dreg:$0x0] =	wrdreg $0x0  }
0xa8: {  	s4 =	sshll.u32 s28, $0x1;
	[dreg:$0x2] =	wrdreg s2  }
0xa9: {  	[dreg:$0x3] =	wrdreg s4  }
0xaa: {  	[dreg:$0x4] =	wrdreg $0xC0  }
0xab: {  	_ =	task [dreg:s6], $0x5FFFF  }
0xac: {  	[dreg:$0x1] =	wrdreg $0xFFFFFFFF  }
0xad: {  	[dreg:$0x0] =	wrdreg $0x60  }
0xae: {  	[dreg:$0x2] =	wrdreg s24  }
0xaf: {  	[dreg:$0x3] =	wrdreg $0x9  }
0xb0: {  	_ =	task.clear_ibuf [dreg:s6], $0x4FFFF;
	_ =	strace $0x90000049  }
0xb1: {  	s29 =	simm.s32 $0x9;
	_ =	strace $0x8000004B  }
0xb2: {  	_ =	swait.ge [sflag:s29], $0x1  }
0xb3: {  	[sflag:s29] =	ssyncadd.s32 $0xFFFFFFFF  }
0xb4: {  	_ =	strace $0x9000004B  }
0xb5: {  	_ =	sfence  }
0xb6: {  	s30 =	sld [smem:$0x0];
	_ =	sdelay $0x2  }
0xb7: {  	s31 =	sshll.u32 s1, $0xD;
	s1 =	sshrl.u32 s1, $0x2  }
0xb8: {  	s3 =	sand.u32 $0x4000, s31;
	s1 =	sadd.s32 s1, s30  }
0xb9: {  	s0 =	sor.u32 s3, s0;
	s1 =	sshll.u32 s1, $0x11  }
0xba: {  	s0 =	sor.u32 s1, s0  }
0xbb: {  	s0 =	sadd.s32 $0x8F2B, s0  }
0xbc: {  	[sflag:s0] =	ssyncadd.remote.s32 $0x1  }
0xbd: {  	_ =	sfence.sel $0xFFFF  }
0xbe: {  	[dreg:$0x0] =	wrdreg $0xFFFFFFFF;
	(pc) =	sbr.abs _section_cstart, $3  }
0xbf: {  	[dreg:$0x1] =	wrdreg $0xFFFFFFFF  }
0xc0: {  	_ =	task.clear_ibuf [dreg:s6], $0x2FFFF;
	_ =	strace $0x9FFFFFFF  }
0xc1: {  	(tm) =	ssettm $0x7FFFFFFF  }
tec
execute0_lowered:
.L_overlay_start_1:
0x0: {  	(tag) =	ssettag $0x1  }
0x1: {  	s1 =	rddreg [dreg:$0x0]  }
0x2: {  	s0 =	rddreg [dreg:$0x1];
	s3 =	simm.s32 $0x0;
	s4 =	srdreg.scid  }
0x3: {  	s2 =	stileid.u32;
	[smem:$0x7FF] =	sst s3;
	s4 =	sand.u32 $0x1, s4  }
0x4: {  	s5 =	sshll.u32 s2, $0x8;
	_ =	strace $0x8000004A;
	s6 =	ssub.s32 $0x2, s4  }
0x5: {  	s5 =	sadd.s32 s5, s1;
	s8 =	sshll.u32 s4, $0x7;
	s7 =	sshrl.u32 s6, $0x1  }
0x6: {  	s4 =	sshll.u32 s2, $0x1;
	s31 =	sadd.s32 s8, s5;
	s6 =	ssub.s32 s6, s7  }
0x7: {  	s7 =	sadd.s32 $0x34EE00, s31;
	s5 =	smax.u32 s6, $0x1;
	s6 =	sadd.s32 $0x3600, s31  }
.LBB2_1:
0x8: {  	p0 =	sgt.u32 s4, $0x61  }
0x9: {  	s8 =	sadd.s32 @!p0 $0x0, s7;
	s9 =	simm.s32 @!p0 $0x0;
	s10 =	simm.s32 @!p0 $0x3  }
0xa: {  	[tilespmem:s9], [sflag:$0x3] =	stream.linear.gather @!p0 [hbm4b:s8+s9], $0x400, $0x38;
	[tilespmem:$0x800] =	vst v63  }
0xb: {  	_ =	swait.ge @!p0 [sflag:s10], $0x400;
	p0 =	por p0, p0  }
0xc: {  	[sflag:s10] =	ssyncset.done @!p0 $0x0  }
0xd: {  	s8 =	simm.s32 @!p0 $0x80;
	s11 =	simm.s32 @!p0 $0x400;
	[sflag:s10] =	ssyncadd.s32 @!p0 $0xFFFFFC00  }
0xe: {  	[tilespmem:s11], [sflag:$0x1] =	stream.indirect.gather @!p0 [hbm4b:s1+s8], $0x1, s9, s8, $0xb8;
	[tilespmem:$0x800] =	vst v63  }
0xf: {  	s10 =	simm.s32 @!p0 $0x480  }
0x10: {  	[tilespmem:s10], [sflag:$0x1] =	stream.indirect.gather @!p0 [hbm4b:s1+s8], $0x1, s8, s8, $0xb8;
	[tilespmem:$0x800] =	vst v63  }
0x11: {  	s12 =	simm.s32 @!p0 $0x500;
	s10 =	simm.s32 @!p0 $0x100  }
0x12: {  	[tilespmem:s12], [sflag:$0x1] =	stream.indirect.gather @!p0 [hbm4b:s1+s8], $0x1, s10, s8, $0xb8;
	[tilespmem:$0x800] =	vst v63  }
0x13: {  	s10 =	simm.s32 @!p0 $0x180;
	s12 =	simm.s32 @!p0 $0x580  }
0x14: {  	[tilespmem:s12], [sflag:$0x1] =	stream.indirect.gather @!p0 [hbm4b:s1+s8], $0x1, s10, s8, $0xb8;
	[tilespmem:$0x800] =	vst v63  }
0x15: {  	s10 =	simm.s32 @!p0 $0x200;
	s12 =	simm.s32 @!p0 $0x600  }
0x16: {  	[tilespmem:s12], [sflag:$0x1] =	stream.indirect.gather @!p0 [hbm4b:s1+s8], $0x1, s10, s8, $0xb8;
	[tilespmem:$0x800] =	vst v63  }
0x17: {  	s10 =	simm.s32 @!p0 $0x280;
	s12 =	simm.s32 @!p0 $0x680  }
0x18: {  	[tilespmem:s12], [sflag:$0x1] =	stream.indirect.gather @!p0 [hbm4b:s1+s8], $0x1, s10, s8, $0xb8;
	[tilespmem:$0x800] =	vst v63  }
0x19: {  	s10 =	simm.s32 @!p0 $0x300;
	s12 =	simm.s32 @!p0 $0x700  }
0x1a: {  	[tilespmem:s12], [sflag:$0x1] =	stream.indirect.gather @!p0 [hbm4b:s1+s8], $0x1, s10, s8, $0xb8;
	[tilespmem:$0x800] =	vst v63  }
0x1b: {  	s13 =	simm.s32 @!p0 $0x1;
	s10 =	simm.s32 @!p0 $0x380;
	s12 =	simm.s32 @!p0 $0x780  }
0x1c: {  	[tilespmem:s12], [sflag:$0x1] =	stream.indirect.gather @!p0 [hbm4b:s1+s8], $0x1, s10, s8, $0xb8;
	[tilespmem:$0x800] =	vst v63  }
0x1d: {  	_ =	swait.ge @!p0 [sflag:s13], $0x80  }
0x1e: {  	[sflag:s13] =	ssyncset.done @!p0 $0x0  }
0x1f: {  	[sflag:s13] =	ssyncadd.s32 @!p0 $0xFFFFFF80  }
0x20: {  	_ =	swait.ge @!p0 [sflag:s13], $0x80  }
0x21: {  	[sflag:s13] =	ssyncset.done @!p0 $0x0  }
0x22: {  	[sflag:s13] =	ssyncadd.s32 @!p0 $0xFFFFFF80  }
0x23: {  	_ =	swait.ge @!p0 [sflag:s13], $0x80  }
0x24: {  	[sflag:s13] =	ssyncset.done @!p0 $0x0  }
0x25: {  	[sflag:s13] =	ssyncadd.s32 @!p0 $0xFFFFFF80  }
0x26: {  	_ =	swait.ge @!p0 [sflag:s13], $0x80  }
0x27: {  	[sflag:s13] =	ssyncset.done @!p0 $0x0  }
0x28: {  	[sflag:s13] =	ssyncadd.s32 @!p0 $0xFFFFFF80  }
0x29: {  	_ =	swait.ge @!p0 [sflag:s13], $0x80  }
0x2a: {  	[sflag:s13] =	ssyncset.done @!p0 $0x0  }
0x2b: {  	[sflag:s13] =	ssyncadd.s32 @!p0 $0xFFFFFF80  }
0x2c: {  	_ =	swait.ge @!p0 [sflag:s13], $0x80  }
0x2d: {  	[sflag:s13] =	ssyncset.done @!p0 $0x0  }
0x2e: {  	[sflag:s13] =	ssyncadd.s32 @!p0 $0xFFFFFF80  }
0x2f: {  	_ =	swait.ge @!p0 [sflag:s13], $0x80  }
0x30: {  	[sflag:s13] =	ssyncset.done @!p0 $0x0  }
0x31: {  	[sflag:s13] =	ssyncadd.s32 @!p0 $0xFFFFFF80  }
0x32: {  	_ =	swait.ge @!p0 [sflag:s13], $0x80  }
0x33: {  	[sflag:s13] =	ssyncset.done @!p0 $0x0  }
0x34: {  	s8 =	sadd.s32 @!p0 $0x0, s6;
	[sflag:s13] =	ssyncadd.s32 @!p0 $0xFFFFFF80  }
0x35: {  	[hbm4b:s8+s9] =	stream.linear.scatter @!p0 [tilespmem:s11], [sflag:$0x2], $0x400, $0x38;
	[tilespmem:$0x800] =	vst v63  }
0x36: {  	s14 =	simm.s32 @!p0 $0x2;
	s10 =	simm.s32 $0x2000;
	s9 =	sadd.s32 $0x20, s4  }
0x37: {  	s8 =	simm.s32 $0x1000;
	p2 =	sgt.u32 s9, $0x61;
	_ =	swait.ge @!p0 [sflag:s14], $0x400  }
.LBB2_2:
0x38: {  	s13 =	sadd.s32 @!p2 s8, s7  }
0x39: {  	s11 =	simm.s32 @!p2 $0x0;
	[sflag:s14] =	ssyncset.done @!p0 $0x0;
	s12 =	smov.u32 s10  }
0x3a: {  	s10 =	sadd.s32 $0x1000, s10;
	s15 =	simm.s32 @!p2 $0x3;
	[sflag:s14] =	ssyncadd.s32 @!p0 $0xFFFFFC00  }
0x3b: {  	[tilespmem:s11], [sflag:$0x3] =	stream.linear.gather @!p2 [hbm4b:s13+s11], $0x400, $0x38;
	[tilespmem:$0x800] =	vst v63  }
0x3c: {  	p1 =	sne.s32 s10, $0x4000;
	p0 =	por p2, p2;
	_ =	swait.ge @!p2 [sflag:s15], $0x400  }
0x3d: {  	s14 =	simm.s32 @!p0 $0x80;
	s13 =	simm.s32 @!p0 $0x400;
	[sflag:s15] =	ssyncset.done @!p0 $0x0  }
0x3e: {  	[sflag:s15] =	ssyncadd.s32 @!p0 $0xFFFFFC00;
	s15 =	simm.s32 @!p0 $0x480  }
0x3f: {  	[tilespmem:s13], [sflag:$0x1] =	stream.indirect.gather @!p0 [hbm4b:s1+s14], $0x1, s11, s14, $0xb8;
	[tilespmem:$0x800] =	vst v63  }
0x40: {  	s16 =	simm.s32 @!p0 $0x100;
	s17 =	simm.s32 @!p0 $0x500  }
0x41: {  	[tilespmem:s15], [sflag:$0x1] =	stream.indirect.gather @!p0 [hbm4b:s1+s14], $0x1, s14, s14, $0xb8;
	[tilespmem:$0x800] =	vst v63  }
0x42: {  	s18 =	simm.s32 @!p0 $0x580;
	s15 =	simm.s32 @!p0 $0x180  }
0x43: {  	[tilespmem:s17], [sflag:$0x1] =	stream.indirect.gather @!p0 [hbm4b:s1+s14], $0x1, s16, s14, $0xb8;
	[tilespmem:$0x800] =	vst v63  }
0x44: {  	s16 =	simm.s32 @!p0 $0x200;
	s17 =	simm.s32 @!p0 $0x600  }
0x45: {  	[tilespmem:s18], [sflag:$0x1] =	stream.indirect.gather @!p0 [hbm4b:s1+s14], $0x1, s15, s14, $0xb8;
	[tilespmem:$0x800] =	vst v63  }
0x46: {  	s15 =	simm.s32 @!p0 $0x280;
	s18 =	simm.s32 @!p0 $0x680  }
0x47: {  	[tilespmem:s17], [sflag:$0x1] =	stream.indirect.gather @!p0 [hbm4b:s1+s14], $0x1, s16, s14, $0xb8;
	[tilespmem:$0x800] =	vst v63  }
0x48: {  	s16 =	simm.s32 @!p0 $0x300;
	s17 =	simm.s32 @!p0 $0x700  }
0x49: {  	[tilespmem:s18], [sflag:$0x1] =	stream.indirect.gather @!p0 [hbm4b:s1+s14], $0x1, s15, s14, $0xb8;
	[tilespmem:$0x800] =	vst v63  }
0x4a: {  	s15 =	simm.s32 @!p0 $0x380;
	s18 =	simm.s32 @!p0 $0x780  }
0x4b: {  	[tilespmem:s17], [sflag:$0x1] =	stream.indirect.gather @!p0 [hbm4b:s1+s14], $0x1, s16, s14, $0xb8;
	[tilespmem:$0x800] =	vst v63  }
0x4c: {  	s16 =	simm.s32 @!p0 $0x1  }
0x4d: {  	[tilespmem:s18], [sflag:$0x1] =	stream.indirect.gather @!p0 [hbm4b:s1+s14], $0x1, s15, s14, $0xb8;
	[tilespmem:$0x800] =	vst v63  }
0x4e: {  	_ =	swait.ge @!p0 [sflag:s16], $0x80  }
0x4f: {  	[sflag:s16] =	ssyncset.done @!p0 $0x0  }
0x50: {  	[sflag:s16] =	ssyncadd.s32 @!p0 $0xFFFFFF80  }
0x51: {  	_ =	swait.ge @!p0 [sflag:s16], $0x80  }
0x52: {  	[sflag:s16] =	ssyncset.done @!p0 $0x0  }
0x53: {  	[sflag:s16] =	ssyncadd.s32 @!p0 $0xFFFFFF80  }
0x54: {  	_ =	swait.ge @!p0 [sflag:s16], $0x80  }
0x55: {  	[sflag:s16] =	ssyncset.done @!p0 $0x0  }
0x56: {  	[sflag:s16] =	ssyncadd.s32 @!p0 $0xFFFFFF80  }
0x57: {  	_ =	swait.ge @!p0 [sflag:s16], $0x80  }
0x58: {  	[sflag:s16] =	ssyncset.done @!p0 $0x0  }
0x59: {  	[sflag:s16] =	ssyncadd.s32 @!p0 $0xFFFFFF80  }
0x5a: {  	_ =	swait.ge @!p0 [sflag:s16], $0x80  }
0x5b: {  	[sflag:s16] =	ssyncset.done @!p0 $0x0  }
0x5c: {  	[sflag:s16] =	ssyncadd.s32 @!p0 $0xFFFFFF80  }
0x5d: {  	_ =	swait.ge @!p0 [sflag:s16], $0x80  }
0x5e: {  	[sflag:s16] =	ssyncset.done @!p0 $0x0  }
0x5f: {  	[sflag:s16] =	ssyncadd.s32 @!p0 $0xFFFFFF80  }
0x60: {  	_ =	swait.ge @!p0 [sflag:s16], $0x80  }
0x61: {  	[sflag:s16] =	ssyncset.done @!p0 $0x0  }
0x62: {  	[sflag:s16] =	ssyncadd.s32 @!p0 $0xFFFFFF80  }
.Ltmp0:
0x63: {  	_ =	swait.ge @!p0 [sflag:s16], $0x80;
	(pc) =	sbr.rel @p1 .LBB2_2-.Ltmp0, $4  }
0x64: {  	s15 =	sadd.s32 @!p0 s8, s6;
	s8 =	smov.u32 s12;
	[sflag:s16] =	ssyncset.done @!p0 $0x0  }
0x65: {  	s9 =	sadd.s32 $0x20, s9;
	s14 =	simm.s32 @!p0 $0x2;
	[sflag:s16] =	ssyncadd.s32 @!p0 $0xFFFFFF80  }
0x66: {  	[hbm4b:s15+s11] =	stream.linear.scatter @!p0 [tilespmem:s13], [sflag:$0x2], $0x400, $0x38;
	[tilespmem:$0x800] =	vst v63  }
0x67: {  	p2 =	sgt.u32 s9, $0x61;
	_ =	swait.ge @!p0 [sflag:s14], $0x400  }
0x68: {  	s9 =	sadd.s32 @!p2 s8, s7;
	[sflag:s14] =	ssyncset.done @!p0 $0x0  }
0x69: {  	s10 =	simm.s32 @!p2 $0x0;
	s11 =	simm.s32 @!p2 $0x3;
	[sflag:s14] =	ssyncadd.s32 @!p0 $0xFFFFFC00  }
0x6a: {  	[tilespmem:s10], [sflag:$0x3] =	stream.linear.gather @!p2 [hbm4b:s9+s10], $0x400, $0x38;
	[tilespmem:$0x800] =	vst v63  }
0x6b: {  	p0 =	por p2, p2;
	_ =	swait.ge @!p2 [sflag:s11], $0x400  }
0x6c: {  	[sflag:s11] =	ssyncset.done @!p0 $0x0  }
0x6d: {  	s9 =	simm.s32 @!p0 $0x80;
	s12 =	simm.s32 @!p0 $0x400;
	[sflag:s11] =	ssyncadd.s32 @!p0 $0xFFFFFC00  }
0x6e: {  	[tilespmem:s12], [sflag:$0x1] =	stream.indirect.gather @!p0 [hbm4b:s1+s9], $0x1, s10, s9, $0xb8;
	[tilespmem:$0x800] =	vst v63  }
0x6f: {  	s11 =	simm.s32 @!p0 $0x480  }
0x70: {  	[tilespmem:s11], [sflag:$0x1] =	stream.indirect.gather @!p0 [hbm4b:s1+s9], $0x1, s9, s9, $0xb8;
	[tilespmem:$0x800] =	vst v63  }
0x71: {  	s13 =	simm.s32 @!p0 $0x500;
	s11 =	simm.s32 @!p0 $0x100  }
0x72: {  	[tilespmem:s13], [sflag:$0x1] =	stream.indirect.gather @!p0 [hbm4b:s1+s9], $0x1, s11, s9, $0xb8;
	[tilespmem:$0x800] =	vst v63  }
0x73: {  	s11 =	simm.s32 @!p0 $0x180;
	s13 =	simm.s32 @!p0 $0x580  }
0x74: {  	[tilespmem:s13], [sflag:$0x1] =	stream.indirect.gather @!p0 [hbm4b:s1+s9], $0x1, s11, s9, $0xb8;
	[tilespmem:$0x800] =	vst v63  }
0x75: {  	s11 =	simm.s32 @!p0 $0x200;
	s13 =	simm.s32 @!p0 $0x600  }
0x76: {  	[tilespmem:s13], [sflag:$0x1] =	stream.indirect.gather @!p0 [hbm4b:s1+s9], $0x1, s11, s9, $0xb8;
	[tilespmem:$0x800] =	vst v63  }
0x77: {  	s11 =	simm.s32 @!p0 $0x280;
	s13 =	simm.s32 @!p0 $0x680  }
0x78: {  	[tilespmem:s13], [sflag:$0x1] =	stream.indirect.gather @!p0 [hbm4b:s1+s9], $0x1, s11, s9, $0xb8;
	[tilespmem:$0x800] =	vst v63  }
0x79: {  	s11 =	simm.s32 @!p0 $0x300;
	s13 =	simm.s32 @!p0 $0x700  }
0x7a: {  	[tilespmem:s13], [sflag:$0x1] =	stream.indirect.gather @!p0 [hbm4b:s1+s9], $0x1, s11, s9, $0xb8;
	[tilespmem:$0x800] =	vst v63  }
0x7b: {  	s14 =	simm.s32 @!p0 $0x1;
	s11 =	simm.s32 @!p0 $0x380;
	s13 =	simm.s32 @!p0 $0x780  }
0x7c: {  	[tilespmem:s13], [sflag:$0x1] =	stream.indirect.gather @!p0 [hbm4b:s1+s9], $0x1, s11, s9, $0xb8;
	[tilespmem:$0x800] =	vst v63  }
0x7d: {  	_ =	swait.ge @!p0 [sflag:s14], $0x80  }
0x7e: {  	[sflag:s14] =	ssyncset.done @!p0 $0x0  }
0x7f: {  	[sflag:s14] =	ssyncadd.s32 @!p0 $0xFFFFFF80  }
0x80: {  	_ =	swait.ge @!p0 [sflag:s14], $0x80  }
0x81: {  	[sflag:s14] =	ssyncset.done @!p0 $0x0  }
0x82: {  	[sflag:s14] =	ssyncadd.s32 @!p0 $0xFFFFFF80  }
0x83: {  	_ =	swait.ge @!p0 [sflag:s14], $0x80  }
0x84: {  	[sflag:s14] =	ssyncset.done @!p0 $0x0  }
0x85: {  	[sflag:s14] =	ssyncadd.s32 @!p0 $0xFFFFFF80  }
0x86: {  	_ =	swait.ge @!p0 [sflag:s14], $0x80  }
0x87: {  	[sflag:s14] =	ssyncset.done @!p0 $0x0  }
0x88: {  	[sflag:s14] =	ssyncadd.s32 @!p0 $0xFFFFFF80  }
0x89: {  	_ =	swait.ge @!p0 [sflag:s14], $0x80  }
0x8a: {  	[sflag:s14] =	ssyncset.done @!p0 $0x0  }
0x8b: {  	[sflag:s14] =	ssyncadd.s32 @!p0 $0xFFFFFF80  }
0x8c: {  	_ =	swait.ge @!p0 [sflag:s14], $0x80  }
0x8d: {  	[sflag:s14] =	ssyncset.done @!p0 $0x0  }
0x8e: {  	[sflag:s14] =	ssyncadd.s32 @!p0 $0xFFFFFF80  }
0x8f: {  	_ =	swait.ge @!p0 [sflag:s14], $0x80  }
0x90: {  	[sflag:s14] =	ssyncset.done @!p0 $0x0  }
0x91: {  	[sflag:s14] =	ssyncadd.s32 @!p0 $0xFFFFFF80  }
0x92: {  	s3 =	sadd.s32 $0x1, s3;
	_ =	swait.ge @!p0 [sflag:s14], $0x80  }
0x93: {  	p1 =	sne.s32 s3, s5;
	s8 =	sadd.s32 @!p0 s8, s6;
	[sflag:s14] =	ssyncset.done @!p0 $0x0  }
.Ltmp1:
0x94: {  	s9 =	simm.s32 @!p0 $0x2;
	[sflag:s14] =	ssyncadd.s32 @!p0 $0xFFFFFF80;
	(pc) =	sbr.rel @p1 .LBB2_1-.Ltmp1, $4  }
0x95: {  	[hbm4b:s8+s10] =	stream.linear.scatter @!p0 [tilespmem:s12], [sflag:$0x2], $0x400, $0x38;
	[tilespmem:$0x800] =	vst v63  }
0x96: {  	_ =	swait.ge @!p0 [sflag:s9], $0x400  }
0x97: {  	[sflag:s9] =	ssyncset.done @!p0 $0x0  }
0x98: {  	[sflag:s9] =	ssyncadd.s32 @!p0 $0xFFFFFC00  }
0x99: {  	_ =	sfence.sel $0x180000  }
0x9a: {  	[bflag:$0x0] =	sbarrier.arrive $0xFFFF  }
0x9b: {  	p0 =	sne.s32 s2, $0x0;
	_ =	strace $0x9000004A  }
0x9c: {  	s0 =	sadd.s32 @!p0 $0x100000, s0;
	[bflag:$0x2] =	sbarrier.arrive $0xFFFF  }
0x9d: {  	[sflag:s0] =	ssyncadd.tile.s32 @!p0 $0x1;
	_ =	shalt  }
.Lfunc_end2:
_tile_overlayer_lowered:
.L_overlay_start_2:
0x9e: {  	(tag) =	ssettag $0x2  }
0x9f: {  	s0 =	rddreg [dreg:$0x0];
	s2 =	stileid.u32  }
0xa0: {  	s1 =	rddreg [dreg:$0x1];
	p0 =	sne.s32 s2, $0x0  }
0xa1: {  	s3 =	rddreg [dreg:$0x2];
	[bflag:$0x3] =	sbarrier.arrive $0xFFFF;
	s2 =	simm.s32 @!p0 $0x1C02  }
0xa2: {  	[timem:s3], [sflag:s2] =	dma.local @!p0 [hbm:s0], s1  }
0xa3: {  	s0 =	simm.s32 @!p0 $0x2  }
0xa4: {  	_ =	swait.ge @!p0 [sflag:s0], s1  }
0xa5: {  	s1 =	ssub.s32 @!p0 $0x0, s1;
	[sflag:s0] =	ssyncset.done @!p0 $0x0  }
0xa6: {  	[sflag:s0] =	ssyncadd.s32 @!p0 s1  }
0xa7: {  	[bflag:$0x3] =	sbarrier.arrive $0xFFFF  }
0xa8: {  	_ =	shalt  }

</sc_bundles>
